<compile_context>
chip_gen: v7x
topology: tpu7x:2x2x1
jax: 0.10.2.dev20260603
libtpu: 0.0.44.dev20260713+nightly
codegen_flags: <defaults>
</compile_context>

<pallas_src>
import functools

import jax
import jax.numpy as jnp
from jax import lax
from jax.experimental import pallas as pl
from jax.experimental.pallas import tpu as pltpu
from jax.experimental.pallas import tpu_sc as plsc

N = 10000
E = 320000
D = 128

_NC = 2
_NS = 16
_NW = _NC * _NS
_B = 128
_BPW = 80
_HB = 40
_EPAD = _NW * _BPW * _B
_ZROWS = 128
_RHI = 640
_RLO = N - (_NS - 1) * _RHI


def _mm_body(h_ref, wh_ref, norm_ref, h2_ref):
    h2 = jnp.dot(h_ref[...], wh_ref[...], preferred_element_type=jnp.float32)
    h2_ref[pl.ds(0, N), :] = h2 * norm_ref[...]
    h2_ref[pl.ds(N, _ZROWS), :] = jnp.zeros((_ZROWS, D), jnp.float32)


_mm = pl.pallas_call(
    _mm_body,
    out_shape=jax.ShapeDtypeStruct((N + _ZROWS, D), jnp.float32),
)


def _final_body(agg_ref, m_ref, wm_ref, norm_ref, bh_ref, bm_ref, out_ref):
    m2 = jnp.dot(m_ref[...], wm_ref[...], preferred_element_type=jnp.float32)
    s = (agg_ref[0] + agg_ref[1]) * norm_ref[...]
    s = s + bh_ref[...] + m2 + bm_ref[...]
    out_ref[...] = jnp.maximum(s, 0.0)


_final = pl.pallas_call(
    _final_body,
    out_shape=jax.ShapeDtypeStruct((N, D), jnp.float32),
)


_mesh = plsc.VectorSubcoreMesh(core_axis_name="c", subcore_axis_name="s")


@functools.partial(
    pl.kernel,
    out_type=jax.ShapeDtypeStruct((_NC, N, D), jnp.float32),
    mesh=_mesh,
    scratch_types=[
        pltpu.VMEM((_HB, _B), jnp.int32),
        pltpu.VMEM((_HB, _B), jnp.int32),
        [pltpu.VMEM((_B, D), jnp.float32) for _ in range(2)],
        pltpu.VMEM_SHARED((N, D), jnp.float32),
        pltpu.SemaphoreType.DMA,
        pltpu.SemaphoreType.DMA,
    ],
)
def _sc_agg(h2_hbm, src_hbm, dst_hbm, zeros_hbm, out_hbm,
            src_v, dst_v, rows, acc_sh, semg, sems):
    cid = lax.axis_index("c")
    sid = lax.axis_index("s")
    w = cid * _NS + sid

    @pl.when(sid < _NS - 1)
    def _():
        pltpu.sync_copy(zeros_hbm, acc_sh.at[pl.ds(sid * _RHI, _RHI)])

    @pl.when(sid == _NS - 1)
    def _():
        pltpu.sync_copy(zeros_hbm.at[pl.ds(0, _RLO)],
                        acc_sh.at[pl.ds(sid * _RHI, _RLO)])

    plsc.subcore_barrier()

    base = w * _BPW

    def _gather(p, b):
        pltpu.async_copy(h2_hbm.at[src_v.at[p]], rows[b], semg)

    def _wait_gather(b):
        pltpu.make_async_copy(h2_hbm.at[src_v.at[0]], rows[b], semg).wait()

    def _scatter(p, b):
        pltpu.async_copy(rows[b], acc_sh.at[dst_v.at[p]], sems, add=True)

    def _wait_scatter(b):
        pltpu.make_async_copy(rows[b], acc_sh.at[dst_v.at[0]], sems).wait()

    for h in range(_BPW // _HB):
        off = base + h * _HB
        pltpu.sync_copy(src_hbm.at[pl.ds(off, _HB)], src_v)
        pltpu.sync_copy(dst_hbm.at[pl.ds(off, _HB)], dst_v)
        _gather(0, 0)
        _gather(1, 1)
        _wait_gather(0)
        _scatter(0, 0)

        def _pstep(p, b, fire_next=True):
            _wait_scatter(1 - b)
            if fire_next:
                _gather(p + 1, 1 - b)
            _wait_gather(b)
            _scatter(p, b)

        _pstep(1, 1)

        def body(t, carry):
            for k in range(2):
                _pstep(2 * t + 2 + k, k)
            return carry

        lax.fori_loop(0, (_HB - 4) // 2, body, 0)

        _pstep(_HB - 2, 0)
        _pstep(_HB - 1, 1, fire_next=False)
        _wait_scatter(1)

    plsc.subcore_barrier()

    @pl.when(sid < _NS - 1)
    def _():
        pltpu.sync_copy(acc_sh.at[pl.ds(sid * _RHI, _RHI)],
                        out_hbm.at[cid, pl.ds(sid * _RHI, _RHI)])

    @pl.when(sid == _NS - 1)
    def _():
        pltpu.sync_copy(acc_sh.at[pl.ds(sid * _RHI, _RLO)],
                        out_hbm.at[cid, pl.ds(sid * _RHI, _RLO)])


def kernel(h, m, wh, wm, bh, bm, norm, edge_index):
    h2 = _mm(h, wh, norm)
    npad = _EPAD - E
    pad_iota = jnp.arange(npad, dtype=jnp.int32)
    src = jnp.concatenate([edge_index[0], N + pad_iota % _ZROWS])
    dst = jnp.concatenate([edge_index[1], pad_iota % N])
    src2d = src.reshape(_EPAD // _B, _B)
    dst2d = dst.reshape(_EPAD // _B, _B)
    zeros = jnp.zeros((_RHI, D), dtype=jnp.float32)
    agg = _sc_agg(h2, src2d, dst2d, zeros)
    return _final(agg, m, wm, norm, bh.reshape(1, D), bm.reshape(1, D))

# --- scband reference (transcript-rebuilt; emitter-appended) ---
"""Pipeline reference for scband-gcl-global-28681791603392 (READ-ONLY COPY).

The authoritative reference and input builder live on the scoring server;
editing this copy changes nothing except your own understanding.
"""

import jax, jax.numpy as jnp
import numpy as np

N = 10000
E = 320000
D = 128


def setup_inputs(seed: int = 0) -> dict:
    key = jax.random.key(seed)
    k1, k2, k3, k4, k5, k6, k7 = jax.random.split(key, 7)
    h = jax.random.normal(k1, (N, D), dtype=jnp.float32)
    m = jax.random.normal(k2, (N, D), dtype=jnp.float32)
    edge_index = jax.random.randint(k3, (2, E), 0, N, dtype=jnp.int32)
    # GCN-style symmetric degree norm, as stored in g.ndata['norm']
    deg = jnp.zeros((N,), dtype=jnp.float32).at[edge_index[1]].add(1.0)
    norm = jnp.where(deg > 0, deg ** -0.5, 0.0)[:, None].astype(jnp.float32)
    stdv = 1.0 / np.sqrt(D)
    wh = jax.random.uniform(k4, (D, D), minval=-stdv, maxval=stdv, dtype=jnp.float32)
    wm = jax.random.uniform(k5, (D, D), minval=-stdv, maxval=stdv, dtype=jnp.float32)
    bh = jax.random.uniform(k6, (D,), minval=-stdv, maxval=stdv, dtype=jnp.float32)
    bm = jax.random.uniform(k7, (D,), minval=-stdv, maxval=stdv, dtype=jnp.float32)
    return {"h": h, "m": m, "wh": wh, "wm": wm, "bh": bh, "bm": bm, "norm": norm, "edge_index": edge_index}


def reference(h, m, wh, wm, bh, bm, norm, edge_index):
    # dropout=0.0 -> identity (eval-mode faithful)
    h2 = jnp.matmul(h, wh)
    m2 = jnp.matmul(m, wm)
    h2 = h2 * norm
    src = edge_index[0]
    dst = edge_index[1]
    # update_all(copy_src -> sum): gather h2 at src, scatter-add into dst
    msgs = jnp.take(h2, src, axis=0)
    agg = jax.ops.segment_sum(msgs, dst, num_segments=N)
    h3 = agg * norm
    h3 = h3 + bh
    m2 = m2 + bm
    out = h3 + m2
    return jax.nn.relu(out)

if __name__ == "__main__":
    import jax
    _d = setup_inputs()
    print(jax.jit(kernel)(*tuple(_d.values())))

</pallas_src>

<mosaic_0001>
#map = affine_map<(d0, d1) -> (0, 0)>
#map1 = affine_map<(d0, d1) -> (0, 0, 0)>
module attributes {stable_mosaic.version = 14 : i64} {
  func.func @_sc_agg(%arg0: i32, %arg1: i32, %arg2: memref<10128x128xf32, #tpu.memory_space<hbm>>, %arg3: memref<2560x128xi32, #tpu.memory_space<hbm>>, %arg4: memref<2560x128xi32, #tpu.memory_space<hbm>>, %arg5: memref<640x128xf32, #tpu.memory_space<hbm>>, %arg6: memref<2x10000x128xf32, #tpu.memory_space<hbm>>, %arg7: memref<40x128xi32, #tpu.memory_space<vmem>>, %arg8: memref<40x128xi32, #tpu.memory_space<vmem>>, %arg9: memref<128x128xf32, #tpu.memory_space<vmem>>, %arg10: memref<128x128xf32, #tpu.memory_space<vmem>>, %arg11: memref<10000x128xf32, #tpu.memory_space<vmem_shared>>, %arg12: memref<!tpu.dma_semaphore, #tpu.memory_space<semaphore_mem>>, %arg13: memref<!tpu.dma_semaphore, #tpu.memory_space<semaphore_mem>>) attributes {dimension_semantics = [#tpu.dimension_semantics<core_parallel>, #tpu.dimension_semantics<subcore_parallel>], iteration_bounds = array<i64: 2, 16>, scalar_prefetch = 0 : i64, scratch_operands = 7 : i64, tpu.core_type = #tpu.core_type<sc_vector_subcore>, window_params = [{transform_indices = #map}, {transform_indices = #map}, {transform_indices = #map}, {transform_indices = #map}, {transform_indices = #map1}]} {
    %mul3A = arith.constant 16 : i32
    %mul3A_0 = arith.muli %arg0, %mul3A : i32
    %add3A = arith.addi %mul3A_0, %arg1 : i32
    %lt3A = arith.constant 15 : i32
    %lt3A_1 = arith.cmpi slt, %arg1, %lt3A : i32
    %convert_element_type3A = arith.extui %lt3A_1 : i1 to i32
    %cond3A = arith.constant 0 : i32
    %cond3A_2 = arith.cmpi ne, %convert_element_type3A, %cond3A : i32
    scf.if %cond3A_2 {
      %mul3A_257 = arith.constant 640 : i32
      %mul3A_258 = arith.muli %arg1, %mul3A_257 : i32
      "tpu.region"() ({
        %run_scoped3A = tpu.sem_alloc : memref<!tpu.dma_semaphore, #tpu.memory_space<semaphore_mem>>
        %dma_start3A_259 = arith.constant 0 : i32
        %dma_start3A_260 = tpu.memref_slice %arg11[%mul3A_258, %dma_start3A_259] : memref<10000x128xf32, #tpu.memory_space<vmem_shared>> -> memref<640x128xf32, #tpu.memory_space<vmem_shared>>
        tpu.enqueue_dma source(%arg5 : memref<640x128xf32, #tpu.memory_space<hbm>>) target(%dma_start3A_260 : memref<640x128xf32, #tpu.memory_space<vmem_shared>>) target_semaphore(%run_scoped3A : memref<!tpu.dma_semaphore, #tpu.memory_space<semaphore_mem>>)
        %dma_wait3A_261 = arith.constant 0 : i32
        %dma_wait3A_262 = tpu.memref_slice %arg11[%mul3A_258, %dma_wait3A_261] : memref<10000x128xf32, #tpu.memory_space<vmem_shared>> -> memref<640x128xf32, #tpu.memory_space<vmem_shared>>
        tpu.wait_dma2 semaphore(%run_scoped3A : memref<!tpu.dma_semaphore, #tpu.memory_space<semaphore_mem>>) src(%arg5 : memref<640x128xf32, #tpu.memory_space<hbm>>) dst(%dma_wait3A_262 : memref<640x128xf32, #tpu.memory_space<vmem_shared>>)
        tpu.yield
      }) : () -> ()
    } else {
    }
    %eq3A = arith.constant 15 : i32
    %eq3A_3 = arith.cmpi eq, %arg1, %eq3A : i32
    %convert_element_type3A_4 = arith.extui %eq3A_3 : i1 to i32
    %cond3A_5 = arith.constant 0 : i32
    %cond3A_6 = arith.cmpi ne, %convert_element_type3A_4, %cond3A_5 : i32
    scf.if %cond3A_6 {
      %mul3A_257 = arith.constant 640 : i32
      %mul3A_258 = arith.muli %arg1, %mul3A_257 : i32
      "tpu.region"() ({
        %run_scoped3A = tpu.sem_alloc : memref<!tpu.dma_semaphore, #tpu.memory_space<semaphore_mem>>
        %dma_start3A_259 = arith.constant 0 : i32
        %dma_start3A_260 = tpu.memref_slice %arg11[%mul3A_258, %dma_start3A_259] : memref<10000x128xf32, #tpu.memory_space<vmem_shared>> -> memref<400x128xf32, #tpu.memory_space<vmem_shared>>
        %dma_start3A_261 = arith.constant 0 : i32
        %dma_start3A_262 = arith.constant 0 : i32
        %dma_start3A_263 = tpu.memref_slice %arg5[%dma_start3A_261, %dma_start3A_262] : memref<640x128xf32, #tpu.memory_space<hbm>> -> memref<400x128xf32, #tpu.memory_space<hbm>>
        tpu.enqueue_dma source(%dma_start3A_263 : memref<400x128xf32, #tpu.memory_space<hbm>>) target(%dma_start3A_260 : memref<400x128xf32, #tpu.memory_space<vmem_shared>>) target_semaphore(%run_scoped3A : memref<!tpu.dma_semaphore, #tpu.memory_space<semaphore_mem>>)
        %dma_wait3A_264 = arith.constant 0 : i32
        %dma_wait3A_265 = tpu.memref_slice %arg11[%mul3A_258, %dma_wait3A_264] : memref<10000x128xf32, #tpu.memory_space<vmem_shared>> -> memref<400x128xf32, #tpu.memory_space<vmem_shared>>
        %dma_wait3A_266 = arith.constant 0 : i32
        %dma_wait3A_267 = arith.constant 0 : i32
        %dma_wait3A_268 = tpu.memref_slice %arg5[%dma_wait3A_266, %dma_wait3A_267] : memref<640x128xf32, #tpu.memory_space<hbm>> -> memref<400x128xf32, #tpu.memory_space<hbm>>
        tpu.wait_dma2 semaphore(%run_scoped3A : memref<!tpu.dma_semaphore, #tpu.memory_space<semaphore_mem>>) src(%dma_wait3A_268 : memref<400x128xf32, #tpu.memory_space<hbm>>) dst(%dma_wait3A_265 : memref<400x128xf32, #tpu.memory_space<vmem_shared>>)
        tpu.yield
      }) : () -> ()
    } else {
    }
    %barrier3A = arith.constant 0 : index
    tpu.barrier barrier_id(%barrier3A)
    %mul3A_7 = arith.constant 80 : i32
    %mul3A_8 = arith.muli %add3A, %mul3A_7 : i32
    %add3A_9 = arith.constant 0 : i32
    %add3A_10 = arith.addi %mul3A_8, %add3A_9 : i32
    "tpu.region"() ({
      %run_scoped3A = tpu.sem_alloc : memref<!tpu.dma_semaphore, #tpu.memory_space<semaphore_mem>>
      %dma_start3A_257 = arith.constant 0 : i32
      %dma_start3A_258 = tpu.memref_slice %arg3[%add3A_10, %dma_start3A_257] : memref<2560x128xi32, #tpu.memory_space<hbm>> -> memref<40x128xi32, #tpu.memory_space<hbm>>
      %dma_start3A_259 = arith.constant 0 : i32
      %dma_start3A_260 = tpu.memref_slice %arg3[%add3A_10, %dma_start3A_259] : memref<2560x128xi32, #tpu.memory_space<hbm>> -> memref<40x128xi32, #tpu.memory_space<hbm>>
      tpu.enqueue_dma source(%dma_start3A_260 : memref<40x128xi32, #tpu.memory_space<hbm>>) target(%arg7 : memref<40x128xi32, #tpu.memory_space<vmem>>) target_semaphore(%run_scoped3A : memref<!tpu.dma_semaphore, #tpu.memory_space<semaphore_mem>>)
      %dma_wait3A_261 = arith.constant 0 : i32
      %dma_wait3A_262 = tpu.memref_slice %arg3[%add3A_10, %dma_wait3A_261] : memref<2560x128xi32, #tpu.memory_space<hbm>> -> memref<40x128xi32, #tpu.memory_space<hbm>>
      %dma_wait3A_263 = arith.constant 0 : i32
      %dma_wait3A_264 = tpu.memref_slice %arg3[%add3A_10, %dma_wait3A_263] : memref<2560x128xi32, #tpu.memory_space<hbm>> -> memref<40x128xi32, #tpu.memory_space<hbm>>
      tpu.wait_dma2 semaphore(%run_scoped3A : memref<!tpu.dma_semaphore, #tpu.memory_space<semaphore_mem>>) src(%dma_wait3A_264 : memref<40x128xi32, #tpu.memory_space<hbm>>) dst(%arg7 : memref<40x128xi32, #tpu.memory_space<vmem>>)
      tpu.yield
    }) : () -> ()
    "tpu.region"() ({
      %run_scoped3A = tpu.sem_alloc : memref<!tpu.dma_semaphore, #tpu.memory_space<semaphore_mem>>
      %dma_start3A_257 = arith.constant 0 : i32
      %dma_start3A_258 = tpu.memref_slice %arg4[%add3A_10, %dma_start3A_257] : memref<2560x128xi32, #tpu.memory_space<hbm>> -> memref<40x128xi32, #tpu.memory_space<hbm>>
      %dma_start3A_259 = arith.constant 0 : i32
      %dma_start3A_260 = tpu.memref_slice %arg4[%add3A_10, %dma_start3A_259] : memref<2560x128xi32, #tpu.memory_space<hbm>> -> memref<40x128xi32, #tpu.memory_space<hbm>>
      tpu.enqueue_dma source(%dma_start3A_260 : memref<40x128xi32, #tpu.memory_space<hbm>>) target(%arg8 : memref<40x128xi32, #tpu.memory_space<vmem>>) target_semaphore(%run_scoped3A : memref<!tpu.dma_semaphore, #tpu.memory_space<semaphore_mem>>)
      %dma_wait3A_261 = arith.constant 0 : i32
      %dma_wait3A_262 = tpu.memref_slice %arg4[%add3A_10, %dma_wait3A_261] : memref<2560x128xi32, #tpu.memory_space<hbm>> -> memref<40x128xi32, #tpu.memory_space<hbm>>
      %dma_wait3A_263 = arith.constant 0 : i32
      %dma_wait3A_264 = tpu.memref_slice %arg4[%add3A_10, %dma_wait3A_263] : memref<2560x128xi32, #tpu.memory_space<hbm>> -> memref<40x128xi32, #tpu.memory_space<hbm>>
      tpu.wait_dma2 semaphore(%run_scoped3A : memref<!tpu.dma_semaphore, #tpu.memory_space<semaphore_mem>>) src(%dma_wait3A_264 : memref<40x128xi32, #tpu.memory_space<hbm>>) dst(%arg8 : memref<40x128xi32, #tpu.memory_space<vmem>>)
      tpu.yield
    }) : () -> ()
    %dma_start3A = arith.constant 0 : i32
    %dma_start3A_11 = arith.constant 0 : i32
    %dma_start3A_12 = tpu.memref_slice %arg7[%dma_start3A, %dma_start3A_11] : memref<40x128xi32, #tpu.memory_space<vmem>> -> memref<1x128xi32, #tpu.memory_space<vmem>>
    %dma_start3A_13 = tpu.memref_squeeze %dma_start3A_12 : memref<1x128xi32, #tpu.memory_space<vmem>> -> memref<128xi32, #tpu.memory_space<vmem>>
    %dma_start3A_14 = arith.constant 0 : i32
    %dma_start3A_15 = arith.constant 0 : i32
    %dma_start3A_16 = tpu.memref_slice %arg2[%dma_start3A_14, %dma_start3A_15] : memref<10128x128xf32, #tpu.memory_space<hbm>> -> memref<10128x128xf32, #tpu.memory_space<hbm>>
    tpu.enqueue_indirect_dma source(%dma_start3A_16 : memref<10128x128xf32, #tpu.memory_space<hbm>>) target(%arg9 : memref<128x128xf32, #tpu.memory_space<vmem>>) offsets(%dma_start3A_13 : memref<128xi32, #tpu.memory_space<vmem>>) semaphore(%arg12 : memref<!tpu.dma_semaphore, #tpu.memory_space<semaphore_mem>>)
    %dma_start3A_17 = arith.constant 1 : i32
    %dma_start3A_18 = arith.constant 0 : i32
    %dma_start3A_19 = tpu.memref_slice %arg7[%dma_start3A_17, %dma_start3A_18] : memref<40x128xi32, #tpu.memory_space<vmem>> -> memref<1x128xi32, #tpu.memory_space<vmem>>
    %dma_start3A_20 = tpu.memref_squeeze %dma_start3A_19 : memref<1x128xi32, #tpu.memory_space<vmem>> -> memref<128xi32, #tpu.memory_space<vmem>>
    %dma_start3A_21 = arith.constant 0 : i32
    %dma_start3A_22 = arith.constant 0 : i32
    %dma_start3A_23 = tpu.memref_slice %arg2[%dma_start3A_21, %dma_start3A_22] : memref<10128x128xf32, #tpu.memory_space<hbm>> -> memref<10128x128xf32, #tpu.memory_space<hbm>>
    tpu.enqueue_indirect_dma source(%dma_start3A_23 : memref<10128x128xf32, #tpu.memory_space<hbm>>) target(%arg10 : memref<128x128xf32, #tpu.memory_space<vmem>>) offsets(%dma_start3A_20 : memref<128xi32, #tpu.memory_space<vmem>>) semaphore(%arg12 : memref<!tpu.dma_semaphore, #tpu.memory_space<semaphore_mem>>)
    %dma_wait3A = arith.constant 0 : i32
    %dma_wait3A_24 = arith.constant 0 : i32
    %dma_wait3A_25 = tpu.memref_slice %arg7[%dma_wait3A, %dma_wait3A_24] : memref<40x128xi32, #tpu.memory_space<vmem>> -> memref<1x128xi32, #tpu.memory_space<vmem>>
    %dma_wait3A_26 = tpu.memref_squeeze %dma_wait3A_25 : memref<1x128xi32, #tpu.memory_space<vmem>> -> memref<128xi32, #tpu.memory_space<vmem>>
    %dma_wait3A_27 = arith.constant 0 : i32
    %dma_wait3A_28 = arith.constant 0 : i32
    %dma_wait3A_29 = tpu.memref_slice %arg2[%dma_wait3A_27, %dma_wait3A_28] : memref<10128x128xf32, #tpu.memory_space<hbm>> -> memref<10128x128xf32, #tpu.memory_space<hbm>>
    tpu.wait_indirect_dma semaphore(%arg12 : memref<!tpu.dma_semaphore, #tpu.memory_space<semaphore_mem>>) src(%dma_wait3A_29 : memref<10128x128xf32, #tpu.memory_space<hbm>>) dst(%arg9 : memref<128x128xf32, #tpu.memory_space<vmem>>)
    %dma_start3A_30 = arith.constant 0 : i32
    %dma_start3A_31 = arith.constant 0 : i32
    %dma_start3A_32 = tpu.memref_slice %arg8[%dma_start3A_30, %dma_start3A_31] : memref<40x128xi32, #tpu.memory_space<vmem>> -> memref<1x128xi32, #tpu.memory_space<vmem>>
    %dma_start3A_33 = tpu.memref_squeeze %dma_start3A_32 : memref<1x128xi32, #tpu.memory_space<vmem>> -> memref<128xi32, #tpu.memory_space<vmem>>
    %dma_start3A_34 = arith.constant 0 : i32
    %dma_start3A_35 = arith.constant 0 : i32
    %dma_start3A_36 = tpu.memref_slice %arg11[%dma_start3A_34, %dma_start3A_35] : memref<10000x128xf32, #tpu.memory_space<vmem_shared>> -> memref<10000x128xf32, #tpu.memory_space<vmem_shared>>
    tpu.enqueue_indirect_dma source(%arg9 : memref<128x128xf32, #tpu.memory_space<vmem>>) target(%dma_start3A_36 : memref<10000x128xf32, #tpu.memory_space<vmem_shared>>) offsets(%dma_start3A_33 : memref<128xi32, #tpu.memory_space<vmem>>) semaphore(%arg13 : memref<!tpu.dma_semaphore, #tpu.memory_space<semaphore_mem>>) {add = true}
    %dma_wait3A_37 = arith.constant 0 : i32
    %dma_wait3A_38 = arith.constant 0 : i32
    %dma_wait3A_39 = tpu.memref_slice %arg8[%dma_wait3A_37, %dma_wait3A_38] : memref<40x128xi32, #tpu.memory_space<vmem>> -> memref<1x128xi32, #tpu.memory_space<vmem>>
    %dma_wait3A_40 = tpu.memref_squeeze %dma_wait3A_39 : memref<1x128xi32, #tpu.memory_space<vmem>> -> memref<128xi32, #tpu.memory_space<vmem>>
    %dma_wait3A_41 = arith.constant 0 : i32
    %dma_wait3A_42 = arith.constant 0 : i32
    %dma_wait3A_43 = tpu.memref_slice %arg11[%dma_wait3A_41, %dma_wait3A_42] : memref<10000x128xf32, #tpu.memory_space<vmem_shared>> -> memref<10000x128xf32, #tpu.memory_space<vmem_shared>>
    tpu.wait_indirect_dma semaphore(%arg13 : memref<!tpu.dma_semaphore, #tpu.memory_space<semaphore_mem>>) src(%arg9 : memref<128x128xf32, #tpu.memory_space<vmem>>) dst(%dma_wait3A_43 : memref<10000x128xf32, #tpu.memory_space<vmem_shared>>)
    %dma_start3A_44 = arith.constant 2 : i32
    %dma_start3A_45 = arith.constant 0 : i32
    %dma_start3A_46 = tpu.memref_slice %arg7[%dma_start3A_44, %dma_start3A_45] : memref<40x128xi32, #tpu.memory_space<vmem>> -> memref<1x128xi32, #tpu.memory_space<vmem>>
    %dma_start3A_47 = tpu.memref_squeeze %dma_start3A_46 : memref<1x128xi32, #tpu.memory_space<vmem>> -> memref<128xi32, #tpu.memory_space<vmem>>
    %dma_start3A_48 = arith.constant 0 : i32
    %dma_start3A_49 = arith.constant 0 : i32
    %dma_start3A_50 = tpu.memref_slice %arg2[%dma_start3A_48, %dma_start3A_49] : memref<10128x128xf32, #tpu.memory_space<hbm>> -> memref<10128x128xf32, #tpu.memory_space<hbm>>
    tpu.enqueue_indirect_dma source(%dma_start3A_50 : memref<10128x128xf32, #tpu.memory_space<hbm>>) target(%arg9 : memref<128x128xf32, #tpu.memory_space<vmem>>) offsets(%dma_start3A_47 : memref<128xi32, #tpu.memory_space<vmem>>) semaphore(%arg12 : memref<!tpu.dma_semaphore, #tpu.memory_space<semaphore_mem>>)
    %dma_wait3A_51 = arith.constant 0 : i32
    %dma_wait3A_52 = arith.constant 0 : i32
    %dma_wait3A_53 = tpu.memref_slice %arg7[%dma_wait3A_51, %dma_wait3A_52] : memref<40x128xi32, #tpu.memory_space<vmem>> -> memref<1x128xi32, #tpu.memory_space<vmem>>
    %dma_wait3A_54 = tpu.memref_squeeze %dma_wait3A_53 : memref<1x128xi32, #tpu.memory_space<vmem>> -> memref<128xi32, #tpu.memory_space<vmem>>
    %dma_wait3A_55 = arith.constant 0 : i32
    %dma_wait3A_56 = arith.constant 0 : i32
    %dma_wait3A_57 = tpu.memref_slice %arg2[%dma_wait3A_55, %dma_wait3A_56] : memref<10128x128xf32, #tpu.memory_space<hbm>> -> memref<10128x128xf32, #tpu.memory_space<hbm>>
    tpu.wait_indirect_dma semaphore(%arg12 : memref<!tpu.dma_semaphore, #tpu.memory_space<semaphore_mem>>) src(%dma_wait3A_57 : memref<10128x128xf32, #tpu.memory_space<hbm>>) dst(%arg10 : memref<128x128xf32, #tpu.memory_space<vmem>>)
    %dma_start3A_58 = arith.constant 1 : i32
    %dma_start3A_59 = arith.constant 0 : i32
    %dma_start3A_60 = tpu.memref_slice %arg8[%dma_start3A_58, %dma_start3A_59] : memref<40x128xi32, #tpu.memory_space<vmem>> -> memref<1x128xi32, #tpu.memory_space<vmem>>
    %dma_start3A_61 = tpu.memref_squeeze %dma_start3A_60 : memref<1x128xi32, #tpu.memory_space<vmem>> -> memref<128xi32, #tpu.memory_space<vmem>>
    %dma_start3A_62 = arith.constant 0 : i32
    %dma_start3A_63 = arith.constant 0 : i32
    %dma_start3A_64 = tpu.memref_slice %arg11[%dma_start3A_62, %dma_start3A_63] : memref<10000x128xf32, #tpu.memory_space<vmem_shared>> -> memref<10000x128xf32, #tpu.memory_space<vmem_shared>>
    tpu.enqueue_indirect_dma source(%arg10 : memref<128x128xf32, #tpu.memory_space<vmem>>) target(%dma_start3A_64 : memref<10000x128xf32, #tpu.memory_space<vmem_shared>>) offsets(%dma_start3A_61 : memref<128xi32, #tpu.memory_space<vmem>>) semaphore(%arg13 : memref<!tpu.dma_semaphore, #tpu.memory_space<semaphore_mem>>) {add = true}
    %scan3A = arith.constant 0 : i32
    %scan3A_65 = arith.constant 0 : i32
    %scan3A_66 = arith.constant 18 : i32
    %scan3A_67 = arith.addi %scan3A_65, %scan3A_66 : i32
    %scan3A_68 = arith.constant 1 : i32
    scf.for %scan3A_257 = %scan3A_65 to %scan3A_67 step %scan3A_68  : i32 {
      %mul3A_258 = arith.constant 2 : i32
      %mul3A_259 = arith.muli %mul3A_258, %scan3A_257 : i32
      %add3A_260 = arith.constant 2 : i32
      %add3A_261 = arith.addi %mul3A_259, %add3A_260 : i32
      %add3A_262 = arith.constant 0 : i32
      %add3A_263 = arith.addi %add3A_261, %add3A_262 : i32
      %dma_wait3A_264 = arith.constant 0 : i32
      %dma_wait3A_265 = arith.constant 0 : i32
      %dma_wait3A_266 = tpu.memref_slice %arg8[%dma_wait3A_264, %dma_wait3A_265] : memref<40x128xi32, #tpu.memory_space<vmem>> -> memref<1x128xi32, #tpu.memory_space<vmem>>
      %dma_wait3A_267 = tpu.memref_squeeze %dma_wait3A_266 : memref<1x128xi32, #tpu.memory_space<vmem>> -> memref<128xi32, #tpu.memory_space<vmem>>
      %dma_wait3A_268 = arith.constant 0 : i32
      %dma_wait3A_269 = arith.constant 0 : i32
      %dma_wait3A_270 = tpu.memref_slice %arg11[%dma_wait3A_268, %dma_wait3A_269] : memref<10000x128xf32, #tpu.memory_space<vmem_shared>> -> memref<10000x128xf32, #tpu.memory_space<vmem_shared>>
      tpu.wait_indirect_dma semaphore(%arg13 : memref<!tpu.dma_semaphore, #tpu.memory_space<semaphore_mem>>) src(%arg10 : memref<128x128xf32, #tpu.memory_space<vmem>>) dst(%dma_wait3A_270 : memref<10000x128xf32, #tpu.memory_space<vmem_shared>>)
      %add3A_271 = arith.constant 1 : i32
      %add3A_272 = arith.addi %add3A_263, %add3A_271 : i32
      %dma_start3A_273 = arith.constant 0 : i32
      %dma_start3A_274 = tpu.memref_slice %arg7[%add3A_272, %dma_start3A_273] : memref<40x128xi32, #tpu.memory_space<vmem>> -> memref<1x128xi32, #tpu.memory_space<vmem>>
      %dma_start3A_275 = tpu.memref_squeeze %dma_start3A_274 : memref<1x128xi32, #tpu.memory_space<vmem>> -> memref<128xi32, #tpu.memory_space<vmem>>
      %dma_start3A_276 = arith.constant 0 : i32
      %dma_start3A_277 = arith.constant 0 : i32
      %dma_start3A_278 = tpu.memref_slice %arg2[%dma_start3A_276, %dma_start3A_277] : memref<10128x128xf32, #tpu.memory_space<hbm>> -> memref<10128x128xf32, #tpu.memory_space<hbm>>
      tpu.enqueue_indirect_dma source(%dma_start3A_278 : memref<10128x128xf32, #tpu.memory_space<hbm>>) target(%arg10 : memref<128x128xf32, #tpu.memory_space<vmem>>) offsets(%dma_start3A_275 : memref<128xi32, #tpu.memory_space<vmem>>) semaphore(%arg12 : memref<!tpu.dma_semaphore, #tpu.memory_space<semaphore_mem>>)
      %dma_wait3A_279 = arith.constant 0 : i32
      %dma_wait3A_280 = arith.constant 0 : i32
      %dma_wait3A_281 = tpu.memref_slice %arg7[%dma_wait3A_279, %dma_wait3A_280] : memref<40x128xi32, #tpu.memory_space<vmem>> -> memref<1x128xi32, #tpu.memory_space<vmem>>
      %dma_wait3A_282 = tpu.memref_squeeze %dma_wait3A_281 : memref<1x128xi32, #tpu.memory_space<vmem>> -> memref<128xi32, #tpu.memory_space<vmem>>
      %dma_wait3A_283 = arith.constant 0 : i32
      %dma_wait3A_284 = arith.constant 0 : i32
      %dma_wait3A_285 = tpu.memref_slice %arg2[%dma_wait3A_283, %dma_wait3A_284] : memref<10128x128xf32, #tpu.memory_space<hbm>> -> memref<10128x128xf32, #tpu.memory_space<hbm>>
      tpu.wait_indirect_dma semaphore(%arg12 : memref<!tpu.dma_semaphore, #tpu.memory_space<semaphore_mem>>) src(%dma_wait3A_285 : memref<10128x128xf32, #tpu.memory_space<hbm>>) dst(%arg9 : memref<128x128xf32, #tpu.memory_space<vmem>>)
      %dma_start3A_286 = arith.constant 0 : i32
      %dma_start3A_287 = tpu.memref_slice %arg8[%add3A_263, %dma_start3A_286] : memref<40x128xi32, #tpu.memory_space<vmem>> -> memref<1x128xi32, #tpu.memory_space<vmem>>
      %dma_start3A_288 = tpu.memref_squeeze %dma_start3A_287 : memref<1x128xi32, #tpu.memory_space<vmem>> -> memref<128xi32, #tpu.memory_space<vmem>>
      %dma_start3A_289 = arith.constant 0 : i32
      %dma_start3A_290 = arith.constant 0 : i32
      %dma_start3A_291 = tpu.memref_slice %arg11[%dma_start3A_289, %dma_start3A_290] : memref<10000x128xf32, #tpu.memory_space<vmem_shared>> -> memref<10000x128xf32, #tpu.memory_space<vmem_shared>>
      tpu.enqueue_indirect_dma source(%arg9 : memref<128x128xf32, #tpu.memory_space<vmem>>) target(%dma_start3A_291 : memref<10000x128xf32, #tpu.memory_space<vmem_shared>>) offsets(%dma_start3A_288 : memref<128xi32, #tpu.memory_space<vmem>>) semaphore(%arg13 : memref<!tpu.dma_semaphore, #tpu.memory_space<semaphore_mem>>) {add = true}
      %mul3A_292 = arith.constant 2 : i32
      %mul3A_293 = arith.muli %mul3A_292, %scan3A_257 : i32
      %add3A_294 = arith.constant 2 : i32
      %add3A_295 = arith.addi %mul3A_293, %add3A_294 : i32
      %add3A_296 = arith.constant 1 : i32
      %add3A_297 = arith.addi %add3A_295, %add3A_296 : i32
      %dma_wait3A_298 = arith.constant 0 : i32
      %dma_wait3A_299 = arith.constant 0 : i32
      %dma_wait3A_300 = tpu.memref_slice %arg8[%dma_wait3A_298, %dma_wait3A_299] : memref<40x128xi32, #tpu.memory_space<vmem>> -> memref<1x128xi32, #tpu.memory_space<vmem>>
      %dma_wait3A_301 = tpu.memref_squeeze %dma_wait3A_300 : memref<1x128xi32, #tpu.memory_space<vmem>> -> memref<128xi32, #tpu.memory_space<vmem>>
      %dma_wait3A_302 = arith.constant 0 : i32
      %dma_wait3A_303 = arith.constant 0 : i32
      %dma_wait3A_304 = tpu.memref_slice %arg11[%dma_wait3A_302, %dma_wait3A_303] : memref<10000x128xf32, #tpu.memory_space<vmem_shared>> -> memref<10000x128xf32, #tpu.memory_space<vmem_shared>>
      tpu.wait_indirect_dma semaphore(%arg13 : memref<!tpu.dma_semaphore, #tpu.memory_space<semaphore_mem>>) src(%arg9 : memref<128x128xf32, #tpu.memory_space<vmem>>) dst(%dma_wait3A_304 : memref<10000x128xf32, #tpu.memory_space<vmem_shared>>)
      %add3A_305 = arith.constant 1 : i32
      %add3A_306 = arith.addi %add3A_297, %add3A_305 : i32
      %dma_start3A_307 = arith.constant 0 : i32
      %dma_start3A_308 = tpu.memref_slice %arg7[%add3A_306, %dma_start3A_307] : memref<40x128xi32, #tpu.memory_space<vmem>> -> memref<1x128xi32, #tpu.memory_space<vmem>>
      %dma_start3A_309 = tpu.memref_squeeze %dma_start3A_308 : memref<1x128xi32, #tpu.memory_space<vmem>> -> memref<128xi32, #tpu.memory_space<vmem>>
      %dma_start3A_310 = arith.constant 0 : i32
      %dma_start3A_311 = arith.constant 0 : i32
      %dma_start3A_312 = tpu.memref_slice %arg2[%dma_start3A_310, %dma_start3A_311] : memref<10128x128xf32, #tpu.memory_space<hbm>> -> memref<10128x128xf32, #tpu.memory_space<hbm>>
      tpu.enqueue_indirect_dma source(%dma_start3A_312 : memref<10128x128xf32, #tpu.memory_space<hbm>>) target(%arg9 : memref<128x128xf32, #tpu.memory_space<vmem>>) offsets(%dma_start3A_309 : memref<128xi32, #tpu.memory_space<vmem>>) semaphore(%arg12 : memref<!tpu.dma_semaphore, #tpu.memory_space<semaphore_mem>>)
      %dma_wait3A_313 = arith.constant 0 : i32
      %dma_wait3A_314 = arith.constant 0 : i32
      %dma_wait3A_315 = tpu.memref_slice %arg7[%dma_wait3A_313, %dma_wait3A_314] : memref<40x128xi32, #tpu.memory_space<vmem>> -> memref<1x128xi32, #tpu.memory_space<vmem>>
      %dma_wait3A_316 = tpu.memref_squeeze %dma_wait3A_315 : memref<1x128xi32, #tpu.memory_space<vmem>> -> memref<128xi32, #tpu.memory_space<vmem>>
      %dma_wait3A_317 = arith.constant 0 : i32
      %dma_wait3A_318 = arith.constant 0 : i32
      %dma_wait3A_319 = tpu.memref_slice %arg2[%dma_wait3A_317, %dma_wait3A_318] : memref<10128x128xf32, #tpu.memory_space<hbm>> -> memref<10128x128xf32, #tpu.memory_space<hbm>>
      tpu.wait_indirect_dma semaphore(%arg12 : memref<!tpu.dma_semaphore, #tpu.memory_space<semaphore_mem>>) src(%dma_wait3A_319 : memref<10128x128xf32, #tpu.memory_space<hbm>>) dst(%arg10 : memref<128x128xf32, #tpu.memory_space<vmem>>)
      %dma_start3A_320 = arith.constant 0 : i32
      %dma_start3A_321 = tpu.memref_slice %arg8[%add3A_297, %dma_start3A_320] : memref<40x128xi32, #tpu.memory_space<vmem>> -> memref<1x128xi32, #tpu.memory_space<vmem>>
      %dma_start3A_322 = tpu.memref_squeeze %dma_start3A_321 : memref<1x128xi32, #tpu.memory_space<vmem>> -> memref<128xi32, #tpu.memory_space<vmem>>
      %dma_start3A_323 = arith.constant 0 : i32
      %dma_start3A_324 = arith.constant 0 : i32
      %dma_start3A_325 = tpu.memref_slice %arg11[%dma_start3A_323, %dma_start3A_324] : memref<10000x128xf32, #tpu.memory_space<vmem_shared>> -> memref<10000x128xf32, #tpu.memory_space<vmem_shared>>
      tpu.enqueue_indirect_dma source(%arg10 : memref<128x128xf32, #tpu.memory_space<vmem>>) target(%dma_start3A_325 : memref<10000x128xf32, #tpu.memory_space<vmem_shared>>) offsets(%dma_start3A_322 : memref<128xi32, #tpu.memory_space<vmem>>) semaphore(%arg13 : memref<!tpu.dma_semaphore, #tpu.memory_space<semaphore_mem>>) {add = true}
    }
    %scan3A_69 = arith.constant 18 : i32
    %dma_wait3A_70 = arith.constant 0 : i32
    %dma_wait3A_71 = arith.constant 0 : i32
    %dma_wait3A_72 = tpu.memref_slice %arg8[%dma_wait3A_70, %dma_wait3A_71] : memref<40x128xi32, #tpu.memory_space<vmem>> -> memref<1x128xi32, #tpu.memory_space<vmem>>
    %dma_wait3A_73 = tpu.memref_squeeze %dma_wait3A_72 : memref<1x128xi32, #tpu.memory_space<vmem>> -> memref<128xi32, #tpu.memory_space<vmem>>
    %dma_wait3A_74 = arith.constant 0 : i32
    %dma_wait3A_75 = arith.constant 0 : i32
    %dma_wait3A_76 = tpu.memref_slice %arg11[%dma_wait3A_74, %dma_wait3A_75] : memref<10000x128xf32, #tpu.memory_space<vmem_shared>> -> memref<10000x128xf32, #tpu.memory_space<vmem_shared>>
    tpu.wait_indirect_dma semaphore(%arg13 : memref<!tpu.dma_semaphore, #tpu.memory_space<semaphore_mem>>) src(%arg10 : memref<128x128xf32, #tpu.memory_space<vmem>>) dst(%dma_wait3A_76 : memref<10000x128xf32, #tpu.memory_space<vmem_shared>>)
    %dma_start3A_77 = arith.constant 39 : i32
    %dma_start3A_78 = arith.constant 0 : i32
    %dma_start3A_79 = tpu.memref_slice %arg7[%dma_start3A_77, %dma_start3A_78] : memref<40x128xi32, #tpu.memory_space<vmem>> -> memref<1x128xi32, #tpu.memory_space<vmem>>
    %dma_start3A_80 = tpu.memref_squeeze %dma_start3A_79 : memref<1x128xi32, #tpu.memory_space<vmem>> -> memref<128xi32, #tpu.memory_space<vmem>>
    %dma_start3A_81 = arith.constant 0 : i32
    %dma_start3A_82 = arith.constant 0 : i32
    %dma_start3A_83 = tpu.memref_slice %arg2[%dma_start3A_81, %dma_start3A_82] : memref<10128x128xf32, #tpu.memory_space<hbm>> -> memref<10128x128xf32, #tpu.memory_space<hbm>>
    tpu.enqueue_indirect_dma source(%dma_start3A_83 : memref<10128x128xf32, #tpu.memory_space<hbm>>) target(%arg10 : memref<128x128xf32, #tpu.memory_space<vmem>>) offsets(%dma_start3A_80 : memref<128xi32, #tpu.memory_space<vmem>>) semaphore(%arg12 : memref<!tpu.dma_semaphore, #tpu.memory_space<semaphore_mem>>)
    %dma_wait3A_84 = arith.constant 0 : i32
    %dma_wait3A_85 = arith.constant 0 : i32
    %dma_wait3A_86 = tpu.memref_slice %arg7[%dma_wait3A_84, %dma_wait3A_85] : memref<40x128xi32, #tpu.memory_space<vmem>> -> memref<1x128xi32, #tpu.memory_space<vmem>>
    %dma_wait3A_87 = tpu.memref_squeeze %dma_wait3A_86 : memref<1x128xi32, #tpu.memory_space<vmem>> -> memref<128xi32, #tpu.memory_space<vmem>>
    %dma_wait3A_88 = arith.constant 0 : i32
    %dma_wait3A_89 = arith.constant 0 : i32
    %dma_wait3A_90 = tpu.memref_slice %arg2[%dma_wait3A_88, %dma_wait3A_89] : memref<10128x128xf32, #tpu.memory_space<hbm>> -> memref<10128x128xf32, #tpu.memory_space<hbm>>
    tpu.wait_indirect_dma semaphore(%arg12 : memref<!tpu.dma_semaphore, #tpu.memory_space<semaphore_mem>>) src(%dma_wait3A_90 : memref<10128x128xf32, #tpu.memory_space<hbm>>) dst(%arg9 : memref<128x128xf32, #tpu.memory_space<vmem>>)
    %dma_start3A_91 = arith.constant 38 : i32
    %dma_start3A_92 = arith.constant 0 : i32
    %dma_start3A_93 = tpu.memref_slice %arg8[%dma_start3A_91, %dma_start3A_92] : memref<40x128xi32, #tpu.memory_space<vmem>> -> memref<1x128xi32, #tpu.memory_space<vmem>>
    %dma_start3A_94 = tpu.memref_squeeze %dma_start3A_93 : memref<1x128xi32, #tpu.memory_space<vmem>> -> memref<128xi32, #tpu.memory_space<vmem>>
    %dma_start3A_95 = arith.constant 0 : i32
    %dma_start3A_96 = arith.constant 0 : i32
    %dma_start3A_97 = tpu.memref_slice %arg11[%dma_start3A_95, %dma_start3A_96] : memref<10000x128xf32, #tpu.memory_space<vmem_shared>> -> memref<10000x128xf32, #tpu.memory_space<vmem_shared>>
    tpu.enqueue_indirect_dma source(%arg9 : memref<128x128xf32, #tpu.memory_space<vmem>>) target(%dma_start3A_97 : memref<10000x128xf32, #tpu.memory_space<vmem_shared>>) offsets(%dma_start3A_94 : memref<128xi32, #tpu.memory_space<vmem>>) semaphore(%arg13 : memref<!tpu.dma_semaphore, #tpu.memory_space<semaphore_mem>>) {add = true}
    %dma_wait3A_98 = arith.constant 0 : i32
    %dma_wait3A_99 = arith.constant 0 : i32
    %dma_wait3A_100 = tpu.memref_slice %arg8[%dma_wait3A_98, %dma_wait3A_99] : memref<40x128xi32, #tpu.memory_space<vmem>> -> memref<1x128xi32, #tpu.memory_space<vmem>>
    %dma_wait3A_101 = tpu.memref_squeeze %dma_wait3A_100 : memref<1x128xi32, #tpu.memory_space<vmem>> -> memref<128xi32, #tpu.memory_space<vmem>>
    %dma_wait3A_102 = arith.constant 0 : i32
    %dma_wait3A_103 = arith.constant 0 : i32
    %dma_wait3A_104 = tpu.memref_slice %arg11[%dma_wait3A_102, %dma_wait3A_103] : memref<10000x128xf32, #tpu.memory_space<vmem_shared>> -> memref<10000x128xf32, #tpu.memory_space<vmem_shared>>
    tpu.wait_indirect_dma semaphore(%arg13 : memref<!tpu.dma_semaphore, #tpu.memory_space<semaphore_mem>>) src(%arg9 : memref<128x128xf32, #tpu.memory_space<vmem>>) dst(%dma_wait3A_104 : memref<10000x128xf32, #tpu.memory_space<vmem_shared>>)
    %dma_wait3A_105 = arith.constant 0 : i32
    %dma_wait3A_106 = arith.constant 0 : i32
    %dma_wait3A_107 = tpu.memref_slice %arg7[%dma_wait3A_105, %dma_wait3A_106] : memref<40x128xi32, #tpu.memory_space<vmem>> -> memref<1x128xi32, #tpu.memory_space<vmem>>
    %dma_wait3A_108 = tpu.memref_squeeze %dma_wait3A_107 : memref<1x128xi32, #tpu.memory_space<vmem>> -> memref<128xi32, #tpu.memory_space<vmem>>
    %dma_wait3A_109 = arith.constant 0 : i32
    %dma_wait3A_110 = arith.constant 0 : i32
    %dma_wait3A_111 = tpu.memref_slice %arg2[%dma_wait3A_109, %dma_wait3A_110] : memref<10128x128xf32, #tpu.memory_space<hbm>> -> memref<10128x128xf32, #tpu.memory_space<hbm>>
    tpu.wait_indirect_dma semaphore(%arg12 : memref<!tpu.dma_semaphore, #tpu.memory_space<semaphore_mem>>) src(%dma_wait3A_111 : memref<10128x128xf32, #tpu.memory_space<hbm>>) dst(%arg10 : memref<128x128xf32, #tpu.memory_space<vmem>>)
    %dma_start3A_112 = arith.constant 39 : i32
    %dma_start3A_113 = arith.constant 0 : i32
    %dma_start3A_114 = tpu.memref_slice %arg8[%dma_start3A_112, %dma_start3A_113] : memref<40x128xi32, #tpu.memory_space<vmem>> -> memref<1x128xi32, #tpu.memory_space<vmem>>
    %dma_start3A_115 = tpu.memref_squeeze %dma_start3A_114 : memref<1x128xi32, #tpu.memory_space<vmem>> -> memref<128xi32, #tpu.memory_space<vmem>>
    %dma_start3A_116 = arith.constant 0 : i32
    %dma_start3A_117 = arith.constant 0 : i32
    %dma_start3A_118 = tpu.memref_slice %arg11[%dma_start3A_116, %dma_start3A_117] : memref<10000x128xf32, #tpu.memory_space<vmem_shared>> -> memref<10000x128xf32, #tpu.memory_space<vmem_shared>>
    tpu.enqueue_indirect_dma source(%arg10 : memref<128x128xf32, #tpu.memory_space<vmem>>) target(%dma_start3A_118 : memref<10000x128xf32, #tpu.memory_space<vmem_shared>>) offsets(%dma_start3A_115 : memref<128xi32, #tpu.memory_space<vmem>>) semaphore(%arg13 : memref<!tpu.dma_semaphore, #tpu.memory_space<semaphore_mem>>) {add = true}
    %dma_wait3A_119 = arith.constant 0 : i32
    %dma_wait3A_120 = arith.constant 0 : i32
    %dma_wait3A_121 = tpu.memref_slice %arg8[%dma_wait3A_119, %dma_wait3A_120] : memref<40x128xi32, #tpu.memory_space<vmem>> -> memref<1x128xi32, #tpu.memory_space<vmem>>
    %dma_wait3A_122 = tpu.memref_squeeze %dma_wait3A_121 : memref<1x128xi32, #tpu.memory_space<vmem>> -> memref<128xi32, #tpu.memory_space<vmem>>
    %dma_wait3A_123 = arith.constant 0 : i32
    %dma_wait3A_124 = arith.constant 0 : i32
    %dma_wait3A_125 = tpu.memref_slice %arg11[%dma_wait3A_123, %dma_wait3A_124] : memref<10000x128xf32, #tpu.memory_space<vmem_shared>> -> memref<10000x128xf32, #tpu.memory_space<vmem_shared>>
    tpu.wait_indirect_dma semaphore(%arg13 : memref<!tpu.dma_semaphore, #tpu.memory_space<semaphore_mem>>) src(%arg10 : memref<128x128xf32, #tpu.memory_space<vmem>>) dst(%dma_wait3A_125 : memref<10000x128xf32, #tpu.memory_space<vmem_shared>>)
    %add3A_126 = arith.constant 40 : i32
    %add3A_127 = arith.addi %mul3A_8, %add3A_126 : i32
    "tpu.region"() ({
      %run_scoped3A = tpu.sem_alloc : memref<!tpu.dma_semaphore, #tpu.memory_space<semaphore_mem>>
      %dma_start3A_257 = arith.constant 0 : i32
      %dma_start3A_258 = tpu.memref_slice %arg3[%add3A_127, %dma_start3A_257] : memref<2560x128xi32, #tpu.memory_space<hbm>> -> memref<40x128xi32, #tpu.memory_space<hbm>>
      %dma_start3A_259 = arith.constant 0 : i32
      %dma_start3A_260 = tpu.memref_slice %arg3[%add3A_127, %dma_start3A_259] : memref<2560x128xi32, #tpu.memory_space<hbm>> -> memref<40x128xi32, #tpu.memory_space<hbm>>
      tpu.enqueue_dma source(%dma_start3A_260 : memref<40x128xi32, #tpu.memory_space<hbm>>) target(%arg7 : memref<40x128xi32, #tpu.memory_space<vmem>>) target_semaphore(%run_scoped3A : memref<!tpu.dma_semaphore, #tpu.memory_space<semaphore_mem>>)
      %dma_wait3A_261 = arith.constant 0 : i32
      %dma_wait3A_262 = tpu.memref_slice %arg3[%add3A_127, %dma_wait3A_261] : memref<2560x128xi32, #tpu.memory_space<hbm>> -> memref<40x128xi32, #tpu.memory_space<hbm>>
      %dma_wait3A_263 = arith.constant 0 : i32
      %dma_wait3A_264 = tpu.memref_slice %arg3[%add3A_127, %dma_wait3A_263] : memref<2560x128xi32, #tpu.memory_space<hbm>> -> memref<40x128xi32, #tpu.memory_space<hbm>>
      tpu.wait_dma2 semaphore(%run_scoped3A : memref<!tpu.dma_semaphore, #tpu.memory_space<semaphore_mem>>) src(%dma_wait3A_264 : memref<40x128xi32, #tpu.memory_space<hbm>>) dst(%arg7 : memref<40x128xi32, #tpu.memory_space<vmem>>)
      tpu.yield
    }) : () -> ()
    "tpu.region"() ({
      %run_scoped3A = tpu.sem_alloc : memref<!tpu.dma_semaphore, #tpu.memory_space<semaphore_mem>>
      %dma_start3A_257 = arith.constant 0 : i32
      %dma_start3A_258 = tpu.memref_slice %arg4[%add3A_127, %dma_start3A_257] : memref<2560x128xi32, #tpu.memory_space<hbm>> -> memref<40x128xi32, #tpu.memory_space<hbm>>
      %dma_start3A_259 = arith.constant 0 : i32
      %dma_start3A_260 = tpu.memref_slice %arg4[%add3A_127, %dma_start3A_259] : memref<2560x128xi32, #tpu.memory_space<hbm>> -> memref<40x128xi32, #tpu.memory_space<hbm>>
      tpu.enqueue_dma source(%dma_start3A_260 : memref<40x128xi32, #tpu.memory_space<hbm>>) target(%arg8 : memref<40x128xi32, #tpu.memory_space<vmem>>) target_semaphore(%run_scoped3A : memref<!tpu.dma_semaphore, #tpu.memory_space<semaphore_mem>>)
      %dma_wait3A_261 = arith.constant 0 : i32
      %dma_wait3A_262 = tpu.memref_slice %arg4[%add3A_127, %dma_wait3A_261] : memref<2560x128xi32, #tpu.memory_space<hbm>> -> memref<40x128xi32, #tpu.memory_space<hbm>>
      %dma_wait3A_263 = arith.constant 0 : i32
      %dma_wait3A_264 = tpu.memref_slice %arg4[%add3A_127, %dma_wait3A_263] : memref<2560x128xi32, #tpu.memory_space<hbm>> -> memref<40x128xi32, #tpu.memory_space<hbm>>
      tpu.wait_dma2 semaphore(%run_scoped3A : memref<!tpu.dma_semaphore, #tpu.memory_space<semaphore_mem>>) src(%dma_wait3A_264 : memref<40x128xi32, #tpu.memory_space<hbm>>) dst(%arg8 : memref<40x128xi32, #tpu.memory_space<vmem>>)
      tpu.yield
    }) : () -> ()
    %dma_start3A_128 = arith.constant 0 : i32
    %dma_start3A_129 = arith.constant 0 : i32
    %dma_start3A_130 = tpu.memref_slice %arg7[%dma_start3A_128, %dma_start3A_129] : memref<40x128xi32, #tpu.memory_space<vmem>> -> memref<1x128xi32, #tpu.memory_space<vmem>>
    %dma_start3A_131 = tpu.memref_squeeze %dma_start3A_130 : memref<1x128xi32, #tpu.memory_space<vmem>> -> memref<128xi32, #tpu.memory_space<vmem>>
    %dma_start3A_132 = arith.constant 0 : i32
    %dma_start3A_133 = arith.constant 0 : i32
    %dma_start3A_134 = tpu.memref_slice %arg2[%dma_start3A_132, %dma_start3A_133] : memref<10128x128xf32, #tpu.memory_space<hbm>> -> memref<10128x128xf32, #tpu.memory_space<hbm>>
    tpu.enqueue_indirect_dma source(%dma_start3A_134 : memref<10128x128xf32, #tpu.memory_space<hbm>>) target(%arg9 : memref<128x128xf32, #tpu.memory_space<vmem>>) offsets(%dma_start3A_131 : memref<128xi32, #tpu.memory_space<vmem>>) semaphore(%arg12 : memref<!tpu.dma_semaphore, #tpu.memory_space<semaphore_mem>>)
    %dma_start3A_135 = arith.constant 1 : i32
    %dma_start3A_136 = arith.constant 0 : i32
    %dma_start3A_137 = tpu.memref_slice %arg7[%dma_start3A_135, %dma_start3A_136] : memref<40x128xi32, #tpu.memory_space<vmem>> -> memref<1x128xi32, #tpu.memory_space<vmem>>
    %dma_start3A_138 = tpu.memref_squeeze %dma_start3A_137 : memref<1x128xi32, #tpu.memory_space<vmem>> -> memref<128xi32, #tpu.memory_space<vmem>>
    %dma_start3A_139 = arith.constant 0 : i32
    %dma_start3A_140 = arith.constant 0 : i32
    %dma_start3A_141 = tpu.memref_slice %arg2[%dma_start3A_139, %dma_start3A_140] : memref<10128x128xf32, #tpu.memory_space<hbm>> -> memref<10128x128xf32, #tpu.memory_space<hbm>>
    tpu.enqueue_indirect_dma source(%dma_start3A_141 : memref<10128x128xf32, #tpu.memory_space<hbm>>) target(%arg10 : memref<128x128xf32, #tpu.memory_space<vmem>>) offsets(%dma_start3A_138 : memref<128xi32, #tpu.memory_space<vmem>>) semaphore(%arg12 : memref<!tpu.dma_semaphore, #tpu.memory_space<semaphore_mem>>)
    %dma_wait3A_142 = arith.constant 0 : i32
    %dma_wait3A_143 = arith.constant 0 : i32
    %dma_wait3A_144 = tpu.memref_slice %arg7[%dma_wait3A_142, %dma_wait3A_143] : memref<40x128xi32, #tpu.memory_space<vmem>> -> memref<1x128xi32, #tpu.memory_space<vmem>>
    %dma_wait3A_145 = tpu.memref_squeeze %dma_wait3A_144 : memref<1x128xi32, #tpu.memory_space<vmem>> -> memref<128xi32, #tpu.memory_space<vmem>>
    %dma_wait3A_146 = arith.constant 0 : i32
    %dma_wait3A_147 = arith.constant 0 : i32
    %dma_wait3A_148 = tpu.memref_slice %arg2[%dma_wait3A_146, %dma_wait3A_147] : memref<10128x128xf32, #tpu.memory_space<hbm>> -> memref<10128x128xf32, #tpu.memory_space<hbm>>
    tpu.wait_indirect_dma semaphore(%arg12 : memref<!tpu.dma_semaphore, #tpu.memory_space<semaphore_mem>>) src(%dma_wait3A_148 : memref<10128x128xf32, #tpu.memory_space<hbm>>) dst(%arg9 : memref<128x128xf32, #tpu.memory_space<vmem>>)
    %dma_start3A_149 = arith.constant 0 : i32
    %dma_start3A_150 = arith.constant 0 : i32
    %dma_start3A_151 = tpu.memref_slice %arg8[%dma_start3A_149, %dma_start3A_150] : memref<40x128xi32, #tpu.memory_space<vmem>> -> memref<1x128xi32, #tpu.memory_space<vmem>>
    %dma_start3A_152 = tpu.memref_squeeze %dma_start3A_151 : memref<1x128xi32, #tpu.memory_space<vmem>> -> memref<128xi32, #tpu.memory_space<vmem>>
    %dma_start3A_153 = arith.constant 0 : i32
    %dma_start3A_154 = arith.constant 0 : i32
    %dma_start3A_155 = tpu.memref_slice %arg11[%dma_start3A_153, %dma_start3A_154] : memref<10000x128xf32, #tpu.memory_space<vmem_shared>> -> memref<10000x128xf32, #tpu.memory_space<vmem_shared>>
    tpu.enqueue_indirect_dma source(%arg9 : memref<128x128xf32, #tpu.memory_space<vmem>>) target(%dma_start3A_155 : memref<10000x128xf32, #tpu.memory_space<vmem_shared>>) offsets(%dma_start3A_152 : memref<128xi32, #tpu.memory_space<vmem>>) semaphore(%arg13 : memref<!tpu.dma_semaphore, #tpu.memory_space<semaphore_mem>>) {add = true}
    %dma_wait3A_156 = arith.constant 0 : i32
    %dma_wait3A_157 = arith.constant 0 : i32
    %dma_wait3A_158 = tpu.memref_slice %arg8[%dma_wait3A_156, %dma_wait3A_157] : memref<40x128xi32, #tpu.memory_space<vmem>> -> memref<1x128xi32, #tpu.memory_space<vmem>>
    %dma_wait3A_159 = tpu.memref_squeeze %dma_wait3A_158 : memref<1x128xi32, #tpu.memory_space<vmem>> -> memref<128xi32, #tpu.memory_space<vmem>>
    %dma_wait3A_160 = arith.constant 0 : i32
    %dma_wait3A_161 = arith.constant 0 : i32
    %dma_wait3A_162 = tpu.memref_slice %arg11[%dma_wait3A_160, %dma_wait3A_161] : memref<10000x128xf32, #tpu.memory_space<vmem_shared>> -> memref<10000x128xf32, #tpu.memory_space<vmem_shared>>
    tpu.wait_indirect_dma semaphore(%arg13 : memref<!tpu.dma_semaphore, #tpu.memory_space<semaphore_mem>>) src(%arg9 : memref<128x128xf32, #tpu.memory_space<vmem>>) dst(%dma_wait3A_162 : memref<10000x128xf32, #tpu.memory_space<vmem_shared>>)
    %dma_start3A_163 = arith.constant 2 : i32
    %dma_start3A_164 = arith.constant 0 : i32
    %dma_start3A_165 = tpu.memref_slice %arg7[%dma_start3A_163, %dma_start3A_164] : memref<40x128xi32, #tpu.memory_space<vmem>> -> memref<1x128xi32, #tpu.memory_space<vmem>>
    %dma_start3A_166 = tpu.memref_squeeze %dma_start3A_165 : memref<1x128xi32, #tpu.memory_space<vmem>> -> memref<128xi32, #tpu.memory_space<vmem>>
    %dma_start3A_167 = arith.constant 0 : i32
    %dma_start3A_168 = arith.constant 0 : i32
    %dma_start3A_169 = tpu.memref_slice %arg2[%dma_start3A_167, %dma_start3A_168] : memref<10128x128xf32, #tpu.memory_space<hbm>> -> memref<10128x128xf32, #tpu.memory_space<hbm>>
    tpu.enqueue_indirect_dma source(%dma_start3A_169 : memref<10128x128xf32, #tpu.memory_space<hbm>>) target(%arg9 : memref<128x128xf32, #tpu.memory_space<vmem>>) offsets(%dma_start3A_166 : memref<128xi32, #tpu.memory_space<vmem>>) semaphore(%arg12 : memref<!tpu.dma_semaphore, #tpu.memory_space<semaphore_mem>>)
    %dma_wait3A_170 = arith.constant 0 : i32
    %dma_wait3A_171 = arith.constant 0 : i32
    %dma_wait3A_172 = tpu.memref_slice %arg7[%dma_wait3A_170, %dma_wait3A_171] : memref<40x128xi32, #tpu.memory_space<vmem>> -> memref<1x128xi32, #tpu.memory_space<vmem>>
    %dma_wait3A_173 = tpu.memref_squeeze %dma_wait3A_172 : memref<1x128xi32, #tpu.memory_space<vmem>> -> memref<128xi32, #tpu.memory_space<vmem>>
    %dma_wait3A_174 = arith.constant 0 : i32
    %dma_wait3A_175 = arith.constant 0 : i32
    %dma_wait3A_176 = tpu.memref_slice %arg2[%dma_wait3A_174, %dma_wait3A_175] : memref<10128x128xf32, #tpu.memory_space<hbm>> -> memref<10128x128xf32, #tpu.memory_space<hbm>>
    tpu.wait_indirect_dma semaphore(%arg12 : memref<!tpu.dma_semaphore, #tpu.memory_space<semaphore_mem>>) src(%dma_wait3A_176 : memref<10128x128xf32, #tpu.memory_space<hbm>>) dst(%arg10 : memref<128x128xf32, #tpu.memory_space<vmem>>)
    %dma_start3A_177 = arith.constant 1 : i32
    %dma_start3A_178 = arith.constant 0 : i32
    %dma_start3A_179 = tpu.memref_slice %arg8[%dma_start3A_177, %dma_start3A_178] : memref<40x128xi32, #tpu.memory_space<vmem>> -> memref<1x128xi32, #tpu.memory_space<vmem>>
    %dma_start3A_180 = tpu.memref_squeeze %dma_start3A_179 : memref<1x128xi32, #tpu.memory_space<vmem>> -> memref<128xi32, #tpu.memory_space<vmem>>
    %dma_start3A_181 = arith.constant 0 : i32
    %dma_start3A_182 = arith.constant 0 : i32
    %dma_start3A_183 = tpu.memref_slice %arg11[%dma_start3A_181, %dma_start3A_182] : memref<10000x128xf32, #tpu.memory_space<vmem_shared>> -> memref<10000x128xf32, #tpu.memory_space<vmem_shared>>
    tpu.enqueue_indirect_dma source(%arg10 : memref<128x128xf32, #tpu.memory_space<vmem>>) target(%dma_start3A_183 : memref<10000x128xf32, #tpu.memory_space<vmem_shared>>) offsets(%dma_start3A_180 : memref<128xi32, #tpu.memory_space<vmem>>) semaphore(%arg13 : memref<!tpu.dma_semaphore, #tpu.memory_space<semaphore_mem>>) {add = true}
    %scan3A_184 = arith.constant 0 : i32
    %scan3A_185 = arith.constant 0 : i32
    %scan3A_186 = arith.constant 18 : i32
    %scan3A_187 = arith.addi %scan3A_185, %scan3A_186 : i32
    %scan3A_188 = arith.constant 1 : i32
    scf.for %scan3A_257 = %scan3A_185 to %scan3A_187 step %scan3A_188  : i32 {
      %mul3A_258 = arith.constant 2 : i32
      %mul3A_259 = arith.muli %mul3A_258, %scan3A_257 : i32
      %add3A_260 = arith.constant 2 : i32
      %add3A_261 = arith.addi %mul3A_259, %add3A_260 : i32
      %add3A_262 = arith.constant 0 : i32
      %add3A_263 = arith.addi %add3A_261, %add3A_262 : i32
      %dma_wait3A_264 = arith.constant 0 : i32
      %dma_wait3A_265 = arith.constant 0 : i32
      %dma_wait3A_266 = tpu.memref_slice %arg8[%dma_wait3A_264, %dma_wait3A_265] : memref<40x128xi32, #tpu.memory_space<vmem>> -> memref<1x128xi32, #tpu.memory_space<vmem>>
      %dma_wait3A_267 = tpu.memref_squeeze %dma_wait3A_266 : memref<1x128xi32, #tpu.memory_space<vmem>> -> memref<128xi32, #tpu.memory_space<vmem>>
      %dma_wait3A_268 = arith.constant 0 : i32
      %dma_wait3A_269 = arith.constant 0 : i32
      %dma_wait3A_270 = tpu.memref_slice %arg11[%dma_wait3A_268, %dma_wait3A_269] : memref<10000x128xf32, #tpu.memory_space<vmem_shared>> -> memref<10000x128xf32, #tpu.memory_space<vmem_shared>>
      tpu.wait_indirect_dma semaphore(%arg13 : memref<!tpu.dma_semaphore, #tpu.memory_space<semaphore_mem>>) src(%arg10 : memref<128x128xf32, #tpu.memory_space<vmem>>) dst(%dma_wait3A_270 : memref<10000x128xf32, #tpu.memory_space<vmem_shared>>)
      %add3A_271 = arith.constant 1 : i32
      %add3A_272 = arith.addi %add3A_263, %add3A_271 : i32
      %dma_start3A_273 = arith.constant 0 : i32
      %dma_start3A_274 = tpu.memref_slice %arg7[%add3A_272, %dma_start3A_273] : memref<40x128xi32, #tpu.memory_space<vmem>> -> memref<1x128xi32, #tpu.memory_space<vmem>>
      %dma_start3A_275 = tpu.memref_squeeze %dma_start3A_274 : memref<1x128xi32, #tpu.memory_space<vmem>> -> memref<128xi32, #tpu.memory_space<vmem>>
      %dma_start3A_276 = arith.constant 0 : i32
      %dma_start3A_277 = arith.constant 0 : i32
      %dma_start3A_278 = tpu.memref_slice %arg2[%dma_start3A_276, %dma_start3A_277] : memref<10128x128xf32, #tpu.memory_space<hbm>> -> memref<10128x128xf32, #tpu.memory_space<hbm>>
      tpu.enqueue_indirect_dma source(%dma_start3A_278 : memref<10128x128xf32, #tpu.memory_space<hbm>>) target(%arg10 : memref<128x128xf32, #tpu.memory_space<vmem>>) offsets(%dma_start3A_275 : memref<128xi32, #tpu.memory_space<vmem>>) semaphore(%arg12 : memref<!tpu.dma_semaphore, #tpu.memory_space<semaphore_mem>>)
      %dma_wait3A_279 = arith.constant 0 : i32
      %dma_wait3A_280 = arith.constant 0 : i32
      %dma_wait3A_281 = tpu.memref_slice %arg7[%dma_wait3A_279, %dma_wait3A_280] : memref<40x128xi32, #tpu.memory_space<vmem>> -> memref<1x128xi32, #tpu.memory_space<vmem>>
      %dma_wait3A_282 = tpu.memref_squeeze %dma_wait3A_281 : memref<1x128xi32, #tpu.memory_space<vmem>> -> memref<128xi32, #tpu.memory_space<vmem>>
      %dma_wait3A_283 = arith.constant 0 : i32
      %dma_wait3A_284 = arith.constant 0 : i32
      %dma_wait3A_285 = tpu.memref_slice %arg2[%dma_wait3A_283, %dma_wait3A_284] : memref<10128x128xf32, #tpu.memory_space<hbm>> -> memref<10128x128xf32, #tpu.memory_space<hbm>>
      tpu.wait_indirect_dma semaphore(%arg12 : memref<!tpu.dma_semaphore, #tpu.memory_space<semaphore_mem>>) src(%dma_wait3A_285 : memref<10128x128xf32, #tpu.memory_space<hbm>>) dst(%arg9 : memref<128x128xf32, #tpu.memory_space<vmem>>)
      %dma_start3A_286 = arith.constant 0 : i32
      %dma_start3A_287 = tpu.memref_slice %arg8[%add3A_263, %dma_start3A_286] : memref<40x128xi32, #tpu.memory_space<vmem>> -> memref<1x128xi32, #tpu.memory_space<vmem>>
      %dma_start3A_288 = tpu.memref_squeeze %dma_start3A_287 : memref<1x128xi32, #tpu.memory_space<vmem>> -> memref<128xi32, #tpu.memory_space<vmem>>
      %dma_start3A_289 = arith.constant 0 : i32
      %dma_start3A_290 = arith.constant 0 : i32
      %dma_start3A_291 = tpu.memref_slice %arg11[%dma_start3A_289, %dma_start3A_290] : memref<10000x128xf32, #tpu.memory_space<vmem_shared>> -> memref<10000x128xf32, #tpu.memory_space<vmem_shared>>
      tpu.enqueue_indirect_dma source(%arg9 : memref<128x128xf32, #tpu.memory_space<vmem>>) target(%dma_start3A_291 : memref<10000x128xf32, #tpu.memory_space<vmem_shared>>) offsets(%dma_start3A_288 : memref<128xi32, #tpu.memory_space<vmem>>) semaphore(%arg13 : memref<!tpu.dma_semaphore, #tpu.memory_space<semaphore_mem>>) {add = true}
      %mul3A_292 = arith.constant 2 : i32
      %mul3A_293 = arith.muli %mul3A_292, %scan3A_257 : i32
      %add3A_294 = arith.constant 2 : i32
      %add3A_295 = arith.addi %mul3A_293, %add3A_294 : i32
      %add3A_296 = arith.constant 1 : i32
      %add3A_297 = arith.addi %add3A_295, %add3A_296 : i32
      %dma_wait3A_298 = arith.constant 0 : i32
      %dma_wait3A_299 = arith.constant 0 : i32
      %dma_wait3A_300 = tpu.memref_slice %arg8[%dma_wait3A_298, %dma_wait3A_299] : memref<40x128xi32, #tpu.memory_space<vmem>> -> memref<1x128xi32, #tpu.memory_space<vmem>>
      %dma_wait3A_301 = tpu.memref_squeeze %dma_wait3A_300 : memref<1x128xi32, #tpu.memory_space<vmem>> -> memref<128xi32, #tpu.memory_space<vmem>>
      %dma_wait3A_302 = arith.constant 0 : i32
      %dma_wait3A_303 = arith.constant 0 : i32
      %dma_wait3A_304 = tpu.memref_slice %arg11[%dma_wait3A_302, %dma_wait3A_303] : memref<10000x128xf32, #tpu.memory_space<vmem_shared>> -> memref<10000x128xf32, #tpu.memory_space<vmem_shared>>
      tpu.wait_indirect_dma semaphore(%arg13 : memref<!tpu.dma_semaphore, #tpu.memory_space<semaphore_mem>>) src(%arg9 : memref<128x128xf32, #tpu.memory_space<vmem>>) dst(%dma_wait3A_304 : memref<10000x128xf32, #tpu.memory_space<vmem_shared>>)
      %add3A_305 = arith.constant 1 : i32
      %add3A_306 = arith.addi %add3A_297, %add3A_305 : i32
      %dma_start3A_307 = arith.constant 0 : i32
      %dma_start3A_308 = tpu.memref_slice %arg7[%add3A_306, %dma_start3A_307] : memref<40x128xi32, #tpu.memory_space<vmem>> -> memref<1x128xi32, #tpu.memory_space<vmem>>
      %dma_start3A_309 = tpu.memref_squeeze %dma_start3A_308 : memref<1x128xi32, #tpu.memory_space<vmem>> -> memref<128xi32, #tpu.memory_space<vmem>>
      %dma_start3A_310 = arith.constant 0 : i32
      %dma_start3A_311 = arith.constant 0 : i32
      %dma_start3A_312 = tpu.memref_slice %arg2[%dma_start3A_310, %dma_start3A_311] : memref<10128x128xf32, #tpu.memory_space<hbm>> -> memref<10128x128xf32, #tpu.memory_space<hbm>>
      tpu.enqueue_indirect_dma source(%dma_start3A_312 : memref<10128x128xf32, #tpu.memory_space<hbm>>) target(%arg9 : memref<128x128xf32, #tpu.memory_space<vmem>>) offsets(%dma_start3A_309 : memref<128xi32, #tpu.memory_space<vmem>>) semaphore(%arg12 : memref<!tpu.dma_semaphore, #tpu.memory_space<semaphore_mem>>)
      %dma_wait3A_313 = arith.constant 0 : i32
      %dma_wait3A_314 = arith.constant 0 : i32
      %dma_wait3A_315 = tpu.memref_slice %arg7[%dma_wait3A_313, %dma_wait3A_314] : memref<40x128xi32, #tpu.memory_space<vmem>> -> memref<1x128xi32, #tpu.memory_space<vmem>>
      %dma_wait3A_316 = tpu.memref_squeeze %dma_wait3A_315 : memref<1x128xi32, #tpu.memory_space<vmem>> -> memref<128xi32, #tpu.memory_space<vmem>>
      %dma_wait3A_317 = arith.constant 0 : i32
      %dma_wait3A_318 = arith.constant 0 : i32
      %dma_wait3A_319 = tpu.memref_slice %arg2[%dma_wait3A_317, %dma_wait3A_318] : memref<10128x128xf32, #tpu.memory_space<hbm>> -> memref<10128x128xf32, #tpu.memory_space<hbm>>
      tpu.wait_indirect_dma semaphore(%arg12 : memref<!tpu.dma_semaphore, #tpu.memory_space<semaphore_mem>>) src(%dma_wait3A_319 : memref<10128x128xf32, #tpu.memory_space<hbm>>) dst(%arg10 : memref<128x128xf32, #tpu.memory_space<vmem>>)
      %dma_start3A_320 = arith.constant 0 : i32
      %dma_start3A_321 = tpu.memref_slice %arg8[%add3A_297, %dma_start3A_320] : memref<40x128xi32, #tpu.memory_space<vmem>> -> memref<1x128xi32, #tpu.memory_space<vmem>>
      %dma_start3A_322 = tpu.memref_squeeze %dma_start3A_321 : memref<1x128xi32, #tpu.memory_space<vmem>> -> memref<128xi32, #tpu.memory_space<vmem>>
      %dma_start3A_323 = arith.constant 0 : i32
      %dma_start3A_324 = arith.constant 0 : i32
      %dma_start3A_325 = tpu.memref_slice %arg11[%dma_start3A_323, %dma_start3A_324] : memref<10000x128xf32, #tpu.memory_space<vmem_shared>> -> memref<10000x128xf32, #tpu.memory_space<vmem_shared>>
      tpu.enqueue_indirect_dma source(%arg10 : memref<128x128xf32, #tpu.memory_space<vmem>>) target(%dma_start3A_325 : memref<10000x128xf32, #tpu.memory_space<vmem_shared>>) offsets(%dma_start3A_322 : memref<128xi32, #tpu.memory_space<vmem>>) semaphore(%arg13 : memref<!tpu.dma_semaphore, #tpu.memory_space<semaphore_mem>>) {add = true}
    }
    %scan3A_189 = arith.constant 18 : i32
    %dma_wait3A_190 = arith.constant 0 : i32
    %dma_wait3A_191 = arith.constant 0 : i32
    %dma_wait3A_192 = tpu.memref_slice %arg8[%dma_wait3A_190, %dma_wait3A_191] : memref<40x128xi32, #tpu.memory_space<vmem>> -> memref<1x128xi32, #tpu.memory_space<vmem>>
    %dma_wait3A_193 = tpu.memref_squeeze %dma_wait3A_192 : memref<1x128xi32, #tpu.memory_space<vmem>> -> memref<128xi32, #tpu.memory_space<vmem>>
    %dma_wait3A_194 = arith.constant 0 : i32
    %dma_wait3A_195 = arith.constant 0 : i32
    %dma_wait3A_196 = tpu.memref_slice %arg11[%dma_wait3A_194, %dma_wait3A_195] : memref<10000x128xf32, #tpu.memory_space<vmem_shared>> -> memref<10000x128xf32, #tpu.memory_space<vmem_shared>>
    tpu.wait_indirect_dma semaphore(%arg13 : memref<!tpu.dma_semaphore, #tpu.memory_space<semaphore_mem>>) src(%arg10 : memref<128x128xf32, #tpu.memory_space<vmem>>) dst(%dma_wait3A_196 : memref<10000x128xf32, #tpu.memory_space<vmem_shared>>)
    %dma_start3A_197 = arith.constant 39 : i32
    %dma_start3A_198 = arith.constant 0 : i32
    %dma_start3A_199 = tpu.memref_slice %arg7[%dma_start3A_197, %dma_start3A_198] : memref<40x128xi32, #tpu.memory_space<vmem>> -> memref<1x128xi32, #tpu.memory_space<vmem>>
    %dma_start3A_200 = tpu.memref_squeeze %dma_start3A_199 : memref<1x128xi32, #tpu.memory_space<vmem>> -> memref<128xi32, #tpu.memory_space<vmem>>
    %dma_start3A_201 = arith.constant 0 : i32
    %dma_start3A_202 = arith.constant 0 : i32
    %dma_start3A_203 = tpu.memref_slice %arg2[%dma_start3A_201, %dma_start3A_202] : memref<10128x128xf32, #tpu.memory_space<hbm>> -> memref<10128x128xf32, #tpu.memory_space<hbm>>
    tpu.enqueue_indirect_dma source(%dma_start3A_203 : memref<10128x128xf32, #tpu.memory_space<hbm>>) target(%arg10 : memref<128x128xf32, #tpu.memory_space<vmem>>) offsets(%dma_start3A_200 : memref<128xi32, #tpu.memory_space<vmem>>) semaphore(%arg12 : memref<!tpu.dma_semaphore, #tpu.memory_space<semaphore_mem>>)
    %dma_wait3A_204 = arith.constant 0 : i32
    %dma_wait3A_205 = arith.constant 0 : i32
    %dma_wait3A_206 = tpu.memref_slice %arg7[%dma_wait3A_204, %dma_wait3A_205] : memref<40x128xi32, #tpu.memory_space<vmem>> -> memref<1x128xi32, #tpu.memory_space<vmem>>
    %dma_wait3A_207 = tpu.memref_squeeze %dma_wait3A_206 : memref<1x128xi32, #tpu.memory_space<vmem>> -> memref<128xi32, #tpu.memory_space<vmem>>
    %dma_wait3A_208 = arith.constant 0 : i32
    %dma_wait3A_209 = arith.constant 0 : i32
    %dma_wait3A_210 = tpu.memref_slice %arg2[%dma_wait3A_208, %dma_wait3A_209] : memref<10128x128xf32, #tpu.memory_space<hbm>> -> memref<10128x128xf32, #tpu.memory_space<hbm>>
    tpu.wait_indirect_dma semaphore(%arg12 : memref<!tpu.dma_semaphore, #tpu.memory_space<semaphore_mem>>) src(%dma_wait3A_210 : memref<10128x128xf32, #tpu.memory_space<hbm>>) dst(%arg9 : memref<128x128xf32, #tpu.memory_space<vmem>>)
    %dma_start3A_211 = arith.constant 38 : i32
    %dma_start3A_212 = arith.constant 0 : i32
    %dma_start3A_213 = tpu.memref_slice %arg8[%dma_start3A_211, %dma_start3A_212] : memref<40x128xi32, #tpu.memory_space<vmem>> -> memref<1x128xi32, #tpu.memory_space<vmem>>
    %dma_start3A_214 = tpu.memref_squeeze %dma_start3A_213 : memref<1x128xi32, #tpu.memory_space<vmem>> -> memref<128xi32, #tpu.memory_space<vmem>>
    %dma_start3A_215 = arith.constant 0 : i32
    %dma_start3A_216 = arith.constant 0 : i32
    %dma_start3A_217 = tpu.memref_slice %arg11[%dma_start3A_215, %dma_start3A_216] : memref<10000x128xf32, #tpu.memory_space<vmem_shared>> -> memref<10000x128xf32, #tpu.memory_space<vmem_shared>>
    tpu.enqueue_indirect_dma source(%arg9 : memref<128x128xf32, #tpu.memory_space<vmem>>) target(%dma_start3A_217 : memref<10000x128xf32, #tpu.memory_space<vmem_shared>>) offsets(%dma_start3A_214 : memref<128xi32, #tpu.memory_space<vmem>>) semaphore(%arg13 : memref<!tpu.dma_semaphore, #tpu.memory_space<semaphore_mem>>) {add = true}
    %dma_wait3A_218 = arith.constant 0 : i32
    %dma_wait3A_219 = arith.constant 0 : i32
    %dma_wait3A_220 = tpu.memref_slice %arg8[%dma_wait3A_218, %dma_wait3A_219] : memref<40x128xi32, #tpu.memory_space<vmem>> -> memref<1x128xi32, #tpu.memory_space<vmem>>
    %dma_wait3A_221 = tpu.memref_squeeze %dma_wait3A_220 : memref<1x128xi32, #tpu.memory_space<vmem>> -> memref<128xi32, #tpu.memory_space<vmem>>
    %dma_wait3A_222 = arith.constant 0 : i32
    %dma_wait3A_223 = arith.constant 0 : i32
    %dma_wait3A_224 = tpu.memref_slice %arg11[%dma_wait3A_222, %dma_wait3A_223] : memref<10000x128xf32, #tpu.memory_space<vmem_shared>> -> memref<10000x128xf32, #tpu.memory_space<vmem_shared>>
    tpu.wait_indirect_dma semaphore(%arg13 : memref<!tpu.dma_semaphore, #tpu.memory_space<semaphore_mem>>) src(%arg9 : memref<128x128xf32, #tpu.memory_space<vmem>>) dst(%dma_wait3A_224 : memref<10000x128xf32, #tpu.memory_space<vmem_shared>>)
    %dma_wait3A_225 = arith.constant 0 : i32
    %dma_wait3A_226 = arith.constant 0 : i32
    %dma_wait3A_227 = tpu.memref_slice %arg7[%dma_wait3A_225, %dma_wait3A_226] : memref<40x128xi32, #tpu.memory_space<vmem>> -> memref<1x128xi32, #tpu.memory_space<vmem>>
    %dma_wait3A_228 = tpu.memref_squeeze %dma_wait3A_227 : memref<1x128xi32, #tpu.memory_space<vmem>> -> memref<128xi32, #tpu.memory_space<vmem>>
    %dma_wait3A_229 = arith.constant 0 : i32
    %dma_wait3A_230 = arith.constant 0 : i32
    %dma_wait3A_231 = tpu.memref_slice %arg2[%dma_wait3A_229, %dma_wait3A_230] : memref<10128x128xf32, #tpu.memory_space<hbm>> -> memref<10128x128xf32, #tpu.memory_space<hbm>>
    tpu.wait_indirect_dma semaphore(%arg12 : memref<!tpu.dma_semaphore, #tpu.memory_space<semaphore_mem>>) src(%dma_wait3A_231 : memref<10128x128xf32, #tpu.memory_space<hbm>>) dst(%arg10 : memref<128x128xf32, #tpu.memory_space<vmem>>)
    %dma_start3A_232 = arith.constant 39 : i32
    %dma_start3A_233 = arith.constant 0 : i32
    %dma_start3A_234 = tpu.memref_slice %arg8[%dma_start3A_232, %dma_start3A_233] : memref<40x128xi32, #tpu.memory_space<vmem>> -> memref<1x128xi32, #tpu.memory_space<vmem>>
    %dma_start3A_235 = tpu.memref_squeeze %dma_start3A_234 : memref<1x128xi32, #tpu.memory_space<vmem>> -> memref<128xi32, #tpu.memory_space<vmem>>
    %dma_start3A_236 = arith.constant 0 : i32
    %dma_start3A_237 = arith.constant 0 : i32
    %dma_start3A_238 = tpu.memref_slice %arg11[%dma_start3A_236, %dma_start3A_237] : memref<10000x128xf32, #tpu.memory_space<vmem_shared>> -> memref<10000x128xf32, #tpu.memory_space<vmem_shared>>
    tpu.enqueue_indirect_dma source(%arg10 : memref<128x128xf32, #tpu.memory_space<vmem>>) target(%dma_start3A_238 : memref<10000x128xf32, #tpu.memory_space<vmem_shared>>) offsets(%dma_start3A_235 : memref<128xi32, #tpu.memory_space<vmem>>) semaphore(%arg13 : memref<!tpu.dma_semaphore, #tpu.memory_space<semaphore_mem>>) {add = true}
    %dma_wait3A_239 = arith.constant 0 : i32
    %dma_wait3A_240 = arith.constant 0 : i32
    %dma_wait3A_241 = tpu.memref_slice %arg8[%dma_wait3A_239, %dma_wait3A_240] : memref<40x128xi32, #tpu.memory_space<vmem>> -> memref<1x128xi32, #tpu.memory_space<vmem>>
    %dma_wait3A_242 = tpu.memref_squeeze %dma_wait3A_241 : memref<1x128xi32, #tpu.memory_space<vmem>> -> memref<128xi32, #tpu.memory_space<vmem>>
    %dma_wait3A_243 = arith.constant 0 : i32
    %dma_wait3A_244 = arith.constant 0 : i32
    %dma_wait3A_245 = tpu.memref_slice %arg11[%dma_wait3A_243, %dma_wait3A_244] : memref<10000x128xf32, #tpu.memory_space<vmem_shared>> -> memref<10000x128xf32, #tpu.memory_space<vmem_shared>>
    tpu.wait_indirect_dma semaphore(%arg13 : memref<!tpu.dma_semaphore, #tpu.memory_space<semaphore_mem>>) src(%arg10 : memref<128x128xf32, #tpu.memory_space<vmem>>) dst(%dma_wait3A_245 : memref<10000x128xf32, #tpu.memory_space<vmem_shared>>)
    %barrier3A_246 = arith.constant 0 : index
    tpu.barrier barrier_id(%barrier3A_246)
    %lt3A_247 = arith.constant 15 : i32
    %lt3A_248 = arith.cmpi slt, %arg1, %lt3A_247 : i32
    %convert_element_type3A_249 = arith.extui %lt3A_248 : i1 to i32
    %cond3A_250 = arith.constant 0 : i32
    %cond3A_251 = arith.cmpi ne, %convert_element_type3A_249, %cond3A_250 : i32
    scf.if %cond3A_251 {
      %mul3A_257 = arith.constant 640 : i32
      %mul3A_258 = arith.muli %arg1, %mul3A_257 : i32
      %mul3A_259 = arith.constant 640 : i32
      %mul3A_260 = arith.muli %arg1, %mul3A_259 : i32
      "tpu.region"() ({
        %run_scoped3A = tpu.sem_alloc : memref<!tpu.dma_semaphore, #tpu.memory_space<semaphore_mem>>
        %dma_start3A_261 = arith.constant 0 : i32
        %dma_start3A_262 = tpu.memref_slice %arg6[%arg0, %mul3A_260, %dma_start3A_261] : memref<2x10000x128xf32, #tpu.memory_space<hbm>> -> memref<1x640x128xf32, #tpu.memory_space<hbm>>
        %dma_start3A_263 = tpu.memref_squeeze %dma_start3A_262 : memref<1x640x128xf32, #tpu.memory_space<hbm>> -> memref<640x128xf32, #tpu.memory_space<hbm>>
        %dma_start3A_264 = arith.constant 0 : i32
        %dma_start3A_265 = tpu.memref_slice %arg11[%mul3A_258, %dma_start3A_264] : memref<10000x128xf32, #tpu.memory_space<vmem_shared>> -> memref<640x128xf32, #tpu.memory_space<vmem_shared>>
        tpu.enqueue_dma source(%dma_start3A_265 : memref<640x128xf32, #tpu.memory_space<vmem_shared>>) target(%dma_start3A_263 : memref<640x128xf32, #tpu.memory_space<hbm>>) target_semaphore(%run_scoped3A : memref<!tpu.dma_semaphore, #tpu.memory_space<semaphore_mem>>)
        %dma_wait3A_266 = arith.constant 0 : i32
        %dma_wait3A_267 = tpu.memref_slice %arg6[%arg0, %mul3A_260, %dma_wait3A_266] : memref<2x10000x128xf32, #tpu.memory_space<hbm>> -> memref<1x640x128xf32, #tpu.memory_space<hbm>>
        %dma_wait3A_268 = tpu.memref_squeeze %dma_wait3A_267 : memref<1x640x128xf32, #tpu.memory_space<hbm>> -> memref<640x128xf32, #tpu.memory_space<hbm>>
        %dma_wait3A_269 = arith.constant 0 : i32
        %dma_wait3A_270 = tpu.memref_slice %arg11[%mul3A_258, %dma_wait3A_269] : memref<10000x128xf32, #tpu.memory_space<vmem_shared>> -> memref<640x128xf32, #tpu.memory_space<vmem_shared>>
        tpu.wait_dma2 semaphore(%run_scoped3A : memref<!tpu.dma_semaphore, #tpu.memory_space<semaphore_mem>>) src(%dma_wait3A_270 : memref<640x128xf32, #tpu.memory_space<vmem_shared>>) dst(%dma_wait3A_268 : memref<640x128xf32, #tpu.memory_space<hbm>>)
        tpu.yield
      }) : () -> ()
    } else {
    }
    %eq3A_252 = arith.constant 15 : i32
    %eq3A_253 = arith.cmpi eq, %arg1, %eq3A_252 : i32
    %convert_element_type3A_254 = arith.extui %eq3A_253 : i1 to i32
    %cond3A_255 = arith.constant 0 : i32
    %cond3A_256 = arith.cmpi ne, %convert_element_type3A_254, %cond3A_255 : i32
    scf.if %cond3A_256 {
      %mul3A_257 = arith.constant 640 : i32
      %mul3A_258 = arith.muli %arg1, %mul3A_257 : i32
      %mul3A_259 = arith.constant 640 : i32
      %mul3A_260 = arith.muli %arg1, %mul3A_259 : i32
      "tpu.region"() ({
        %run_scoped3A = tpu.sem_alloc : memref<!tpu.dma_semaphore, #tpu.memory_space<semaphore_mem>>
        %dma_start3A_261 = arith.constant 0 : i32
        %dma_start3A_262 = tpu.memref_slice %arg6[%arg0, %mul3A_260, %dma_start3A_261] : memref<2x10000x128xf32, #tpu.memory_space<hbm>> -> memref<1x400x128xf32, #tpu.memory_space<hbm>>
        %dma_start3A_263 = tpu.memref_squeeze %dma_start3A_262 : memref<1x400x128xf32, #tpu.memory_space<hbm>> -> memref<400x128xf32, #tpu.memory_space<hbm>>
        %dma_start3A_264 = arith.constant 0 : i32
        %dma_start3A_265 = tpu.memref_slice %arg11[%mul3A_258, %dma_start3A_264] : memref<10000x128xf32, #tpu.memory_space<vmem_shared>> -> memref<400x128xf32, #tpu.memory_space<vmem_shared>>
        tpu.enqueue_dma source(%dma_start3A_265 : memref<400x128xf32, #tpu.memory_space<vmem_shared>>) target(%dma_start3A_263 : memref<400x128xf32, #tpu.memory_space<hbm>>) target_semaphore(%run_scoped3A : memref<!tpu.dma_semaphore, #tpu.memory_space<semaphore_mem>>)
        %dma_wait3A_266 = arith.constant 0 : i32
        %dma_wait3A_267 = tpu.memref_slice %arg6[%arg0, %mul3A_260, %dma_wait3A_266] : memref<2x10000x128xf32, #tpu.memory_space<hbm>> -> memref<1x400x128xf32, #tpu.memory_space<hbm>>
        %dma_wait3A_268 = tpu.memref_squeeze %dma_wait3A_267 : memref<1x400x128xf32, #tpu.memory_space<hbm>> -> memref<400x128xf32, #tpu.memory_space<hbm>>
        %dma_wait3A_269 = arith.constant 0 : i32
        %dma_wait3A_270 = tpu.memref_slice %arg11[%mul3A_258, %dma_wait3A_269] : memref<10000x128xf32, #tpu.memory_space<vmem_shared>> -> memref<400x128xf32, #tpu.memory_space<vmem_shared>>
        tpu.wait_dma2 semaphore(%run_scoped3A : memref<!tpu.dma_semaphore, #tpu.memory_space<semaphore_mem>>) src(%dma_wait3A_270 : memref<400x128xf32, #tpu.memory_space<vmem_shared>>) dst(%dma_wait3A_268 : memref<400x128xf32, #tpu.memory_space<hbm>>)
        tpu.yield
      }) : () -> ()
    } else {
    }
    return
  }
}

module attributes {stable_mosaic.version = 14 : i64} {
  func.func @_mm_body(%arg0: memref<10000x128xf32, #tpu.memory_space<vmem>>, %arg1: memref<128x128xf32, #tpu.memory_space<vmem>>, %arg2: memref<10000x1xf32, #tpu.memory_space<vmem>>, %arg3: memref<10128x128xf32, #tpu.memory_space<vmem>>) attributes {dimension_semantics = [], scalar_prefetch = 0 : i64, scratch_operands = 0 : i64, tpu.core_type = #tpu.core_type<tc>} {
    %get3A = arith.constant 0 : index
    %get3A_0 = arith.constant 0 : index
    %get3A_1 = vector.load %arg0[%get3A, %get3A_0] : memref<10000x128xf32, #tpu.memory_space<vmem>>, vector<10000x128xf32>
    %get3A_2 = arith.constant 0 : index
    %get3A_3 = arith.constant 0 : index
    %get3A_4 = vector.load %arg1[%get3A_2, %get3A_3] : memref<128x128xf32, #tpu.memory_space<vmem>>, vector<128x128xf32>
    %dot_general3A = arith.constant dense<0.000000e+00> : vector<10000x128xf32>
    %dot_general3A_5 = tpu.matmul %get3A_1, %get3A_4, %dot_general3A {dimension_numbers = #tpu.dot_dimension_numbers<[1], [0], [0], [1], [0, 0, 1, 1], [], []>, transpose_lhs_hint = false} : vector<10000x128xf32>, vector<128x128xf32>, vector<10000x128xf32> -> vector<10000x128xf32>
    %get3A_6 = arith.constant 0 : index
    %get3A_7 = arith.constant 0 : index
    %get3A_8 = vector.load %arg2[%get3A_6, %get3A_7] : memref<10000x1xf32, #tpu.memory_space<vmem>>, vector<10000x1xf32>
    %mul3A = vector.broadcast %get3A_8 : vector<10000x1xf32> to vector<10000x128xf32>
    %mul3A_9 = arith.mulf %dot_general3A_5, %mul3A : vector<10000x128xf32>
    %swap3A = arith.constant 0 : index
    %swap3A_10 = arith.constant 0 : index
    %swap3A_11 = vector.load %arg3[%swap3A, %swap3A_10] : memref<10128x128xf32, #tpu.memory_space<vmem>>, vector<10000x128xf32>
    tpu.vector_store %arg3[%swap3A, %swap3A_10], %mul3A_9 {strides = array<i32>} : memref<10128x128xf32, #tpu.memory_space<vmem>>, vector<10000x128xf32>,
    %broadcast_in_dim3A = arith.constant 0.000000e+00 : f32
    %broadcast_in_dim3A_12 = vector.broadcast %broadcast_in_dim3A : f32 to vector<128x128xf32>
    %swap3A_13 = arith.constant 10000 : index
    %swap3A_14 = arith.constant 0 : index
    %swap3A_15 = vector.load %arg3[%swap3A_13, %swap3A_14] : memref<10128x128xf32, #tpu.memory_space<vmem>>, vector<128x128xf32>
    tpu.vector_store %arg3[%swap3A_13, %swap3A_14], %broadcast_in_dim3A_12 {strides = array<i32>} : memref<10128x128xf32, #tpu.memory_space<vmem>>, vector<128x128xf32>,
    return
  }
}

module attributes {stable_mosaic.version = 14 : i64} {
  func.func @_final_body(%arg0: memref<2x10000x128xf32, #tpu.memory_space<vmem>>, %arg1: memref<10000x128xf32, #tpu.memory_space<vmem>>, %arg2: memref<128x128xf32, #tpu.memory_space<vmem>>, %arg3: memref<10000x1xf32, #tpu.memory_space<vmem>>, %arg4: memref<1x128xf32, #tpu.memory_space<vmem>>, %arg5: memref<1x128xf32, #tpu.memory_space<vmem>>, %arg6: memref<10000x128xf32, #tpu.memory_space<vmem>>) attributes {dimension_semantics = [], scalar_prefetch = 0 : i64, scratch_operands = 0 : i64, tpu.core_type = #tpu.core_type<tc>} {
    %get3A = arith.constant 0 : index
    %get3A_0 = arith.constant 0 : index
    %get3A_1 = vector.load %arg1[%get3A, %get3A_0] : memref<10000x128xf32, #tpu.memory_space<vmem>>, vector<10000x128xf32>
    %get3A_2 = arith.constant 0 : index
    %get3A_3 = arith.constant 0 : index
    %get3A_4 = vector.load %arg2[%get3A_2, %get3A_3] : memref<128x128xf32, #tpu.memory_space<vmem>>, vector<128x128xf32>
    %dot_general3A = arith.constant dense<0.000000e+00> : vector<10000x128xf32>
    %dot_general3A_5 = tpu.matmul %get3A_1, %get3A_4, %dot_general3A {dimension_numbers = #tpu.dot_dimension_numbers<[1], [0], [0], [1], [0, 0, 1, 1], [], []>, transpose_lhs_hint = false} : vector<10000x128xf32>, vector<128x128xf32>, vector<10000x128xf32> -> vector<10000x128xf32>
    %get3A_6 = arith.constant 0 : index
    %get3A_7 = arith.constant 0 : index
    %get3A_8 = arith.constant 0 : index
    %get3A_9 = vector.load %arg0[%get3A_6, %get3A_7, %get3A_8] : memref<2x10000x128xf32, #tpu.memory_space<vmem>>, vector<1x10000x128xf32>
    %get3A_10 = vector.shape_cast %get3A_9 : vector<1x10000x128xf32> to vector<10000x128xf32>
    %get3A_11 = arith.constant 1 : index
    %get3A_12 = arith.constant 0 : index
    %get3A_13 = arith.constant 0 : index
    %get3A_14 = vector.load %arg0[%get3A_11, %get3A_12, %get3A_13] : memref<2x10000x128xf32, #tpu.memory_space<vmem>>, vector<1x10000x128xf32>
    %get3A_15 = vector.shape_cast %get3A_14 : vector<1x10000x128xf32> to vector<10000x128xf32>
    %add3A = arith.addf %get3A_10, %get3A_15 : vector<10000x128xf32>
    %get3A_16 = arith.constant 0 : index
    %get3A_17 = arith.constant 0 : index
    %get3A_18 = vector.load %arg3[%get3A_16, %get3A_17] : memref<10000x1xf32, #tpu.memory_space<vmem>>, vector<10000x1xf32>
    %mul3A = vector.broadcast %get3A_18 : vector<10000x1xf32> to vector<10000x128xf32>
    %mul3A_19 = arith.mulf %add3A, %mul3A : vector<10000x128xf32>
    %get3A_20 = arith.constant 0 : index
    %get3A_21 = arith.constant 0 : index
    %get3A_22 = vector.load %arg4[%get3A_20, %get3A_21] : memref<1x128xf32, #tpu.memory_space<vmem>>, vector<1x128xf32>
    %add3A_23 = vector.broadcast %get3A_22 : vector<1x128xf32> to vector<10000x128xf32>
    %add3A_24 = arith.addf %mul3A_19, %add3A_23 : vector<10000x128xf32>
    %add3A_25 = arith.addf %add3A_24, %dot_general3A_5 : vector<10000x128xf32>
    %get3A_26 = arith.constant 0 : index
    %get3A_27 = arith.constant 0 : index
    %get3A_28 = vector.load %arg5[%get3A_26, %get3A_27] : memref<1x128xf32, #tpu.memory_space<vmem>>, vector<1x128xf32>
    %add3A_29 = vector.broadcast %get3A_28 : vector<1x128xf32> to vector<10000x128xf32>
    %add3A_30 = arith.addf %add3A_25, %add3A_29 : vector<10000x128xf32>
    %max3A = arith.constant 0.000000e+00 : f32
    %max3A_31 = vector.broadcast %max3A : f32 to vector<10000x128xf32>
    %max3A_32 = arith.maximumf %add3A_30, %max3A_31 : vector<10000x128xf32>
    %swap3A = arith.constant 0 : index
    %swap3A_33 = arith.constant 0 : index
    %swap3A_34 = vector.load %arg6[%swap3A, %swap3A_33] : memref<10000x128xf32, #tpu.memory_space<vmem>>, vector<10000x128xf32>
    tpu.vector_store %arg6[%swap3A, %swap3A_33], %max3A_32 {strides = array<i32>} : memref<10000x128xf32, #tpu.memory_space<vmem>>, vector<10000x128xf32>,
    return
  }
}

</mosaic_0001>

<sc_bundles>
// kernel: kernel.5.cloned.1.call-start
scs
__scs_entry_jumppad:
0x0: {  	(pc) =	sbr.rel $0x88, $3  }
0x1: {  	(tag) =	ssettag $0x0;
	lr =	simm.s32 $0x1  }
0x2: {  	[smem:$0x3F99] =	sst lr;
	_ =	strace $0xD0000000  }
0x3: {  	_ = 	snop  }
0x4: {  	_ = 	snop  }
0x5: {  	_ = 	snop  }
0x6: {  	_ = 	snop  }
0x7: {  	_ = 	snop  }
__scs_overlays_trampoline_lowered:
0x8: {  	[smem:$0x3FA8] =	sst s0  }
0x9: {  	[smem:$0x3FA9] =	sst s1  }
0xa: {  	[smem:$0x3FAA] =	sst s2  }
0xb: {  	[smem:$0x3FAB] =	sst s3  }
0xc: {  	[smem:$0x3FAC] =	sst s4  }
0xd: {  	[smem:$0x3FAD] =	sst s5  }
0xe: {  	[smem:$0x3FAE] =	sst s6  }
0xf: {  	[smem:$0x3FAF] =	sst s7  }
0x10: {  	[smem:$0x3FB0] =	sst s8  }
0x11: {  	[smem:$0x3FB1] =	sst s9;
	s0 =	simm.s32 @!p0 $0x0  }
0x12: {  	s1 =	sld [smem:$0x3F97];
	s0 =	simm.s32 @p0 $0x1  }
0x13: {  	[smem:$0x3FB2] =	sst s0;
	s0 =	simm.s32 @!p1 $0x0  }
0x14: {  	s2 =	sld [smem:$0x3F96];
	s0 =	simm.s32 @p1 $0x1  }
0x15: {  	[smem:$0x3FB3] =	sst s0;
	s0 =	simm.s32 @!p2 $0x0  }
0x16: {  	s3 =	sld [smem:$0x3FDB];
	s0 =	simm.s32 @p2 $0x1  }
0x17: {  	s4 =	simm.s32 $0x1BF5;
	[smem:$0x3FB5] =	sst s0  }
0x18: {  	s0 =	sld [smem:$0x3F98];
	_ =	swait.ge [sflag:s4], $0x0  }
0x19: {  	s7 =	sld [smem:$0x3F99]  }
0x1a: {  	s8 =	sadd.s32 $0xFFFFE003, lr  }
0x1b: {  	s9 =	sadd.s32 $0xFFFFFEF7, lr;
	s5 =	simm.s32 $0xFFFFFFFF;
	p2 =	slt.u32 s8, $0xFFFFF086  }
0x1c: {  	p1 =	slt.u32 s9, $0xF7A;
	s5 =	simm.s32 @!p2 $0x0  }
0x1d: {  	s5 =	simm.s32 @p1 $0x1;
	p0 =	seq.s32 s7, s2  }
0x1e: {  	s7 =	smul.u32 @!p0 $0xF7A, s2;
	p2 =	seq.s32 @!p0 s5, $0x0  }
0x1f: {  	s9 =	smul.u32 $0xF7A, s1;
	s8 =	simm.s32 @!p0 $0x1BF5;
	p2 =	por !p2, p0  }
0x20: {  	[sflag:s8] =	ssyncset.s32 @!p0 $0xFFFFF086;
	s6 =	sadd.s32 @!p0 s3, s7;
	s7 =	simm.s32 @!p0 $0x108  }
0x21: {  	s3 =	sadd.s32 s3, s9;
	s6 =	sadd.s32 @!p0 $0x88, s6;
	s7 =	simm.s32 @p2 $0x1082  }
0x22: {  	[simem:s7], [sflag:s8] =	dma.local @!p0 [hbm:s6], $0xF7A  }
0x23: {  	s9 =	sor.u32 $0xD0000000, s2;
	s6 =	simm.s32 $0x108;
	_ =	swait.ge @!p0 [sflag:s8], $0x0  }
0x24: {  	s3 =	sadd.s32 $0x88, s3;
	s6 =	simm.s32 @!p1 $0x1082;
	[sflag:s4] =	ssyncset.s32 $0xFFFFF086  }
0x25: {  	[simem:s6], [sflag:s4] =	dma.local [hbm:s3], $0xF7A  }
0x26: {  	[smem:$0x3F99] =	sst s1;
	(tag) =	ssettag s2;
	_ =	strace s9  }
0x27: {  	s1 =	sld [smem:$0x3FA9]  }
0x28: {  	s2 =	sld [smem:$0x3FAA]  }
0x29: {  	s4 =	sld [smem:$0x3FAC]  }
0x2a: {  	p0 =	seq.s32 s5, $0x0;
	s5 =	sld [smem:$0x3FAD]  }
0x2b: {  	s6 =	sld [smem:$0x3FAE]  }
0x2c: {  	s7 =	sld [smem:$0x3FAF]  }
0x2d: {  	s3 =	simm.s32 $0x108;
	s8 =	sld [smem:$0x3FB0]  }
0x2e: {  	s3 =	simm.s32 @!p0 $0x1082;
	s9 =	sld [smem:$0x3FB1]  }
0x2f: {  	lr =	sadd.s32 s0, s3;
	s0 =	sld [smem:$0x3FA8]  }
0x30: {  	s3 =	sld [smem:$0x3FAB]  }
0x31: {  	[smem:$0x3FB4] =	sst s10  }
0x32: {  	s10 =	sld [smem:$0x3FB2];
	_ =	sdelay $0x3  }
0x33: {  	p0 =	seq.s32 s10, $0x1;
	s10 =	sld [smem:$0x3FB4];
	_ =	sdelay $0x3  }
0x34: {  	[smem:$0x3FB4] =	sst s10  }
0x35: {  	s10 =	sld [smem:$0x3FB3];
	_ =	sdelay $0x3  }
0x36: {  	p1 =	seq.s32 s10, $0x1;
	s10 =	sld [smem:$0x3FB4];
	_ =	sdelay $0x3  }
0x37: {  	[smem:$0x3FB4] =	sst s10  }
0x38: {  	s10 =	sld [smem:$0x3FB5]  }
0x39: {  	_ = 	snop;
	(pc) =	sbr.ind lr, $3  }
0x3a: {  	_ = 	snop  }
0x3b: {  	_ = 	snop  }
0x3c: {  	p2 =	seq.s32 s10, $0x1;
	s10 =	sld [smem:$0x3FB4]  }
0x3d: {  	_ =	shalt  }
0x3e: {  	_ =	shalt  }
0x3f: {  	_ =	shalt  }
0x40: {  	_ =	shalt  }
0x41: {  	_ =	shalt  }
0x42: {  	_ =	shalt  }
0x43: {  	_ =	shalt  }
0x44: {  	_ =	shalt  }
0x45: {  	_ =	shalt  }
0x46: {  	_ =	shalt  }
0x47: {  	_ =	shalt  }
0x48: {  	_ =	shalt  }
0x49: {  	_ =	shalt  }
0x4a: {  	_ =	shalt  }
0x4b: {  	_ =	shalt  }
0x4c: {  	_ =	shalt  }
0x4d: {  	_ =	shalt  }
0x4e: {  	_ =	shalt  }
0x4f: {  	_ =	shalt  }
0x50: {  	_ =	shalt  }
0x51: {  	_ =	shalt  }
0x52: {  	_ =	shalt  }
0x53: {  	_ =	shalt  }
0x54: {  	_ =	shalt  }
0x55: {  	_ =	shalt  }
0x56: {  	_ =	shalt  }
0x57: {  	_ =	shalt  }
0x58: {  	_ =	shalt  }
0x59: {  	_ =	shalt  }
0x5a: {  	_ =	shalt  }
0x5b: {  	_ =	shalt  }
0x5c: {  	_ =	shalt  }
0x5d: {  	_ =	shalt  }
0x5e: {  	_ =	shalt  }
0x5f: {  	_ =	shalt  }
0x60: {  	_ =	shalt  }
0x61: {  	_ =	shalt  }
0x62: {  	_ =	shalt  }
0x63: {  	_ =	shalt  }
0x64: {  	_ =	shalt  }
0x65: {  	_ =	shalt  }
0x66: {  	_ =	shalt  }
0x67: {  	_ =	shalt  }
0x68: {  	_ =	shalt  }
0x69: {  	_ =	shalt  }
0x6a: {  	_ =	shalt  }
0x6b: {  	_ =	shalt  }
0x6c: {  	_ =	shalt  }
0x6d: {  	_ =	shalt  }
0x6e: {  	_ =	shalt  }
0x6f: {  	_ =	shalt  }
0x70: {  	_ =	shalt  }
0x71: {  	_ =	shalt  }
0x72: {  	_ =	shalt  }
0x73: {  	_ =	shalt  }
0x74: {  	_ =	shalt  }
0x75: {  	_ =	shalt  }
0x76: {  	_ =	shalt  }
0x77: {  	_ =	shalt  }
0x78: {  	_ =	shalt  }
0x79: {  	_ =	shalt  }
0x7a: {  	_ =	shalt  }
0x7b: {  	_ =	shalt  }
0x7c: {  	_ =	shalt  }
0x7d: {  	_ =	shalt  }
0x7e: {  	_ =	shalt  }
0x7f: {  	_ =	shalt  }
0x80: {  	_ =	shalt  }
0x81: {  	_ =	shalt  }
0x82: {  	_ =	shalt  }
0x83: {  	_ =	shalt  }
0x84: {  	_ =	shalt  }
0x85: {  	_ =	shalt  }
0x86: {  	_ =	shalt  }
0x87: {  	_ =	shalt  }
.Lfunc_end0:
.L_simem_size_0:
called_computation_lowered:
.L_overlay_start_0:
0x88: {  	s2 =	sld [smem:$0x3FD9]  }
0x89: {  	s3 =	sld [smem:$0x3FFE];
	_ =	sdelay $0x1  }
0x8a: {  	s1 =	srdreg.scid  }
0x8b: {  	s0 =	sand.u32 $0x1, s1  }
0x8c: {  	s17 =	sshll.u32 s0, $0xA;
	s2 =	sadd.s32 s3, s2  }
0x8d: {  	s2 =	sadd.s32 s2, s17  }
0x8e: {  	[smem:$0x3FC0] =	sst s2  }
0x8f: {  	_ = 	snop  }
0x90: {  	s2 =	sld [smem:$0x3FD0];
	(tm) =	ssettm $0x1  }
0x91: {  	s18 =	sld [smem:$0x3FFB];
	_ =	sdelay $0x3  }
0x92: {  	_ =	strace s18  }
0x93: {  	s3 =	sld [smem:$0x3FFC];
	_ =	sdelay $0x3  }
0x94: {  	_ =	strace s3  }
0x95: {  	s3 =	sld [smem:$0x3FFD];
	_ =	sdelay $0x3  }
0x96: {  	_ =	strace s3  }
0x97: {  	_ =	strace $0x8FFFFFFF  }
0x98: {  	s19 =	sld [smem:$0x3FDB];
	_ =	sdelay $0x1  }
0x99: {  	s4 =	simm.s32 $_scs_section_size  }
0x9a: {  	s5 =	simm.s32 $_size__tile_overlayer_lowered;
	s6 =	simm.s32 $_tile_overlayer_lowered  }
0x9b: {  	s22 =	simm.s32 $0x1BFF;
	s21 =	sshll.u32 s6, $0x1;
	s3 =	sadd.s32 s4, s19  }
0x9c: {  	s7 =	simm.s32 $0x0;
	s20 =	sshll.u32 s5, $0x1;
	s5 =	sadd.s32 s21, s3  }
0x9d: {  	[timem:s7], [sflag:s22] =	dma.local [hbm:s5], s20  }
0x9e: {  	_ =	swait.ge [sflag:s22], s20  }
0x9f: {  	s4 =	ssub.s32 $0x0, s20;
	[sflag:s22] =	ssyncset.done $0x0  }
0xa0: {  	[sflag:s22] =	ssyncadd.s32 s4;
	_ =	sdelay $0x1  }
0xa1: {  	s23 =	simm.s32 $0x1B8B  }
0xa2: {  	_ =	swait.ge [sflag:s23], $0x1  }
0xa3: {  	[sflag:s23] =	ssyncset.done $0x0  }
0xa4: {  	s25 =	simm.s32 $0x1B8E;
	s24 =	sld [smem:$0x3FFE];
	[sflag:s23] =	ssyncadd.s32 $0xFFFFFFFF  }
0xa5: {  	s26 =	simm.s32 $execute0_lowered;
	[smem:$0x3FD2] =	sst s25  }
0xa6: {  	s5 =	sshll.u32 s26, $0x1;
	_ =	strace $0x80000046;
	[dreg:$0x1] =	wrdreg $0xFFFFFFFF  }
0xa7: {  	s28 =	simm.s32 $_size_execute0_lowered;
	s3 =	sadd.s32 s3, s5;
	[dreg:$0x0] =	wrdreg $0x0  }
0xa8: {  	s5 =	sshll.u32 s28, $0x1;
	[dreg:$0x2] =	wrdreg s3  }
0xa9: {  	[dreg:$0x3] =	wrdreg s5  }
0xaa: {  	[dreg:$0x4] =	wrdreg $0xC0  }
0xab: {  	_ =	task [dreg:s7], $0x5FFFF  }
0xac: {  	[dreg:$0x1] =	wrdreg $0xFFFFFFFF  }
0xad: {  	[dreg:$0x0] =	wrdreg $0x60  }
0xae: {  	[dreg:$0x2] =	wrdreg s24  }
0xaf: {  	[dreg:$0x3] =	wrdreg s2  }
0xb0: {  	[dreg:$0x4] =	wrdreg $0xA8000  }
0xb1: {  	[dreg:$0x5] =	wrdreg $0x9  }
0xb2: {  	_ =	task.clear_ibuf [dreg:s7], $0x6FFFF;
	_ =	strace $0x90000046  }
0xb3: {  	s29 =	simm.s32 $0x9;
	_ =	strace $0x80000048  }
0xb4: {  	_ =	swait.ge [sflag:s29], $0x1  }
0xb5: {  	[sflag:s29] =	ssyncadd.s32 $0xFFFFFFFF  }
0xb6: {  	_ =	strace $0x90000048  }
0xb7: {  	_ =	sfence  }
0xb8: {  	s30 =	sld [smem:$0x0];
	_ =	sdelay $0x2  }
0xb9: {  	s31 =	sshll.u32 s1, $0xD;
	s1 =	sshrl.u32 s1, $0x2  }
0xba: {  	s3 =	sand.u32 $0x4000, s31;
	s1 =	sadd.s32 s1, s30  }
0xbb: {  	s0 =	sor.u32 s3, s0;
	s1 =	sshll.u32 s1, $0x11  }
0xbc: {  	s0 =	sor.u32 s1, s0  }
0xbd: {  	s0 =	sadd.s32 $0x8F2B, s0  }
0xbe: {  	[sflag:s0] =	ssyncadd.remote.s32 $0x1  }
0xbf: {  	_ =	sfence.sel $0xFFFF  }
0xc0: {  	[dreg:$0x0] =	wrdreg $0xFFFFFFFF;
	(pc) =	sbr.abs _section_cstart, $3  }
0xc1: {  	[dreg:$0x1] =	wrdreg $0xFFFFFFFF  }
0xc2: {  	_ =	task.clear_ibuf [dreg:s7], $0x2FFFF;
	_ =	strace $0x9FFFFFFF  }
0xc3: {  	(tm) =	ssettm $0x7FFFFFFF  }
tec
execute0_lowered:
.L_overlay_start_1:
0x0: {  	(tag) =	ssettag $0x1  }
0x1: {  	s6 =	rddreg [dreg:$0x0]  }
0x2: {  	s8 =	rddreg [dreg:$0x1]  }
0x3: {  	s1 =	rddreg [dreg:$0x2]  }
0x4: {  	s2 =	simm.s32 $0x0;
	s3 =	srdreg.scid;
	s18 =	simm.s32 $0x80  }
0x5: {  	s19 =	simm.s32 $0x2800;
	s20 =	simm.s32 $0x6800;
	s21 =	simm.s32 $0x1  }
0x6: {  	s22 =	simm.s32 $0x2;
	s23 =	simm.s32 $0x100;
	s24 =	simm.s32 $0x1480  }
0x7: {  	s28 =	simm.s32 $0x2780;
	s29 =	simm.s32 $0x0;
	[smem:$0x7FF] =	sst s2  }
0x8: {  	s4 =	sadd.s32 $0x1600, s6;
	s7 =	sand.u32 $0x1, s3;
	s9 =	sadd.s32 $0x29000, s6  }
0x9: {  	s3 =	stileid.u32;
	s5 =	sadd.s32 $0x33000, s6;
	s12 =	sadd.s32 $0x35800, s6  }
0xa: {  	s16 =	sadd.s32 $0x12C000, s1;
	_ =	strace $0x80000047;
	s11 =	smul.u32 $0x50000, s3  }
0xb: {  	s10 =	sshll.u32 s7, $0x4;
	s25 =	ssub.s32 $0x2, s7;
	s26 =	smul.u32 $0x138800, s7  }
0xc: {  	s17 =	smul.u32 $0x14000, s3;
	p0 =	seq.s32 s3, $0xF;
	s10 =	sor.u32 s3, s10  }
0xd: {  	s14 =	sshrl.u32 s25, $0x1;
	s13 =	smul.u32 $0x500, s10;
	s11 =	sshrl.u32 s11, $0x2  }
0xe: {  	s10 =	smul.u32 $0x2800, s10;
	s14 =	ssub.s32 s25, s14;
	s30 =	sadd.s32 s17, s26  }
0xf: {  	s17 =	simm.s32 $0x1400;
	s25 =	simm.s32 $0x1380;
	s15 =	sadd.s32 s11, s1  }
0x10: {  	s11 =	sshrl.u32 s26, $0x3;
	s31 =	sshrl.u32 s30, $0x3;
	s26 =	simm.s32 $0x2700  }
0x11: {  	s10 =	sshrl.u32 s10, $0x3;
	s6 =	sadd.s32 s8, s13;
	s7 =	sadd.s32 s9, s13  }
0x12: {  	s11 =	sadd.s32 s12, s11;
	s13 =	sshrl.u32 @p0 s16, $0x3;
	s10 =	sadd.s32 $0x280, s10  }
0x13: {  	s15 =	sshrl.u32 @!p0 s15, $0x3;
	s8 =	sadd.s32 s8, s10;
	s9 =	sadd.s32 s9, s10  }
0x14: {  	s10 =	sadd.s32 s12, s31;
	s12 =	smax.u32 s14, $0x1;
	s14 =	sshll.u32 @!p0 s3, $0x6  }
0x15: {  	s16 =	simm.s32 $0x3;
	s11 =	sadd.s32 $0x25800, s11;
	s14 =	sor.u32 @!p0 $0x1C03, s14  }
.LBB2_1:
0x16: {  	s30 =	simm.s32 @p0 $0x1FC3  }
0x17: {  	[spmem:s13], [sflag:s30] =	dma.local @p0 [hbm:s5], $0x1900  }
0x18: {  	s30 =	simm.s32 @p0 $0x3  }
0x19: {  	_ =	swait.ge @p0 [sflag:s30], $0x1900  }
0x1a: {  	[sflag:s30] =	ssyncset.done @p0 $0x0  }
0x1b: {  	[sflag:s30] =	ssyncadd.s32 @p0 $0xFFFFE700;
	s30 =	simm.s32 @!p0 $0x3  }
0x1c: {  	[spmem:s15], [sflag:s14] =	dma.local @!p0 [hbm:s5], $0x2800  }
0x1d: {  	_ =	swait.ge @!p0 [sflag:s30], $0x2800  }
0x1e: {  	[sflag:s30] =	ssyncset.done @!p0 $0x0  }
0x1f: {  	[sflag:s30] =	ssyncadd.s32 @!p0 $0xFFFFD800  }
0x20: {  	[bflag:$0x0] =	sbarrier.arrive $0xFFFF  }
0x21: {  	[tilespmem:s2], [sflag:$0x3] =	stream.linear.gather [hbm4b:s6+s2], $0x1400, $0x38;
	[tilespmem:$0x1E080] =	vst v63  }
0x22: {  	_ =	swait.ge [sflag:s16], $0x1400  }
0x23: {  	[sflag:s16] =	ssyncset.done $0x0  }
0x24: {  	[sflag:s16] =	ssyncadd.s32 $0xFFFFEC00  }
0x25: {  	[tilespmem:s17], [sflag:$0x3] =	stream.linear.gather [hbm4b:s7+s2], $0x1400, $0x38;
	[tilespmem:$0x1E080] =	vst v63  }
0x26: {  	_ =	swait.ge [sflag:s16], $0x1400  }
0x27: {  	[sflag:s16] =	ssyncset.done $0x0  }
0x28: {  	[sflag:s16] =	ssyncadd.s32 $0xFFFFEC00  }
0x29: {  	[tilespmem:s19], [sflag:$0x1] =	stream.indirect.gather [hbm4b:s4+s18], $0x80, s2, s18, $0xb8;
	[tilespmem:$0x1E080] =	vst v63  }
0x2a: {  	_ = 	snop  }
0x2b: {  	[tilespmem:s20], [sflag:$0x1] =	stream.indirect.gather [hbm4b:s4+s18], $0x80, s18, s18, $0xb8;
	[tilespmem:$0x1E080] =	vst v63  }
0x2c: {  	_ =	swait.ge [sflag:s21], $0x4000  }
0x2d: {  	[sflag:s21] =	ssyncset.done $0x0  }
0x2e: {  	[sflag:s21] =	ssyncadd.s32 $0xFFFFC000  }
0x2f: {  	[spmem:s1] =	stream.indirect.scatter.add.f32 [tilespmem:s19], [sflag:$0x2], $0x80, s17, s18, $0xb8;
	[tilespmem:$0x1E080] =	vst v63  }
0x30: {  	_ =	swait.ge [sflag:s22], $0x4000  }
0x31: {  	[sflag:s22] =	ssyncset.done $0x0  }
0x32: {  	[sflag:s22] =	ssyncadd.s32 $0xFFFFC000  }
0x33: {  	[tilespmem:s19], [sflag:$0x1] =	stream.indirect.gather [hbm4b:s4+s18], $0x80, s23, s18, $0xb8;
	[tilespmem:$0x1E080] =	vst v63  }
0x34: {  	_ =	swait.ge [sflag:s21], $0x4000  }
0x35: {  	[sflag:s21] =	ssyncset.done $0x0  }
0x36: {  	[sflag:s21] =	ssyncadd.s32 $0xFFFFC000  }
0x37: {  	[spmem:s1] =	stream.indirect.scatter.add.f32 [tilespmem:s20], [sflag:$0x2], $0x80, s24, s18, $0xb8;
	[tilespmem:$0x1E080] =	vst v63  }
0x38: {  	_ =	swait.ge [sflag:s22], $0x4000  }
0x39: {  	[sflag:s22] =	ssyncset.done $0x0  }
0x3a: {  	s30 =	simm.s32 $0x180;
	[sflag:s22] =	ssyncadd.s32 $0xFFFFC000  }
0x3b: {  	[tilespmem:s20], [sflag:$0x1] =	stream.indirect.gather [hbm4b:s4+s18], $0x80, s30, s18, $0xb8;
	[tilespmem:$0x1E080] =	vst v63  }
0x3c: {  	_ =	swait.ge [sflag:s21], $0x4000  }
0x3d: {  	[sflag:s21] =	ssyncset.done $0x0  }
0x3e: {  	s30 =	simm.s32 $0x1500;
	[sflag:s21] =	ssyncadd.s32 $0xFFFFC000  }
0x3f: {  	[spmem:s1] =	stream.indirect.scatter.add.f32 [tilespmem:s19], [sflag:$0x2], $0x80, s30, s18, $0xb8;
	[tilespmem:$0x1E080] =	vst v63  }
0x40: {  	_ =	swait.ge [sflag:s22], $0x4000  }
0x41: {  	[sflag:s22] =	ssyncset.done $0x0  }
0x42: {  	s30 =	simm.s32 $0x200;
	[sflag:s22] =	ssyncadd.s32 $0xFFFFC000  }
0x43: {  	[tilespmem:s19], [sflag:$0x1] =	stream.indirect.gather [hbm4b:s4+s18], $0x80, s30, s18, $0xb8;
	[tilespmem:$0x1E080] =	vst v63  }
0x44: {  	_ =	swait.ge [sflag:s21], $0x4000  }
0x45: {  	[sflag:s21] =	ssyncset.done $0x0  }
0x46: {  	s31 =	simm.s32 $0x1580;
	s30 =	simm.s32 $0xFFFFBC00;
	[sflag:s21] =	ssyncadd.s32 $0xFFFFC000  }
.LBB2_2:
0x47: {  	[spmem:s1] =	stream.indirect.scatter.add.f32 [tilespmem:s20], [sflag:$0x2], $0x80, s31, s18, $0xb8;
	[tilespmem:$0x1E080] =	vst v63  }
0x48: {  	s31 =	smov.u32 s30  }
0x49: {  	p1 =	sne.s32 s30, $0xFFFFFC00;
	s30 =	sadd.s32 $0x400, s30;
	_ =	swait.ge [sflag:s22], $0x4000  }
0x4a: {  	s31 =	sshra.s32 s31, $0x2;
	[sflag:s22] =	ssyncset.done $0x0  }
0x4b: {  	s0 =	sadd.s32 $0x1380, s31;
	[sflag:s22] =	ssyncadd.s32 $0xFFFFC000  }
0x4c: {  	[tilespmem:s20], [sflag:$0x1] =	stream.indirect.gather [hbm4b:s4+s18], $0x80, s0, s18, $0xb8;
	[tilespmem:$0x1E080] =	vst v63  }
0x4d: {  	_ =	swait.ge [sflag:s21], $0x4000  }
0x4e: {  	[sflag:s21] =	ssyncset.done $0x0  }
0x4f: {  	s0 =	sadd.s32 $0x2700, s31;
	[sflag:s21] =	ssyncadd.s32 $0xFFFFC000  }
0x50: {  	[spmem:s1] =	stream.indirect.scatter.add.f32 [tilespmem:s19], [sflag:$0x2], $0x80, s0, s18, $0xb8;
	[tilespmem:$0x1E080] =	vst v63  }
0x51: {  	_ =	swait.ge [sflag:s22], $0x4000  }
0x52: {  	[sflag:s22] =	ssyncset.done $0x0  }
.Ltmp0:
0x53: {  	s0 =	sadd.s32 $0x1400, s31;
	[sflag:s22] =	ssyncadd.s32 $0xFFFFC000;
	(pc) =	sbr.rel @p1 .LBB2_2-.Ltmp0, $4  }
0x54: {  	[tilespmem:s19], [sflag:$0x1] =	stream.indirect.gather [hbm4b:s4+s18], $0x80, s0, s18, $0xb8;
	[tilespmem:$0x1E080] =	vst v63  }
0x55: {  	_ =	swait.ge [sflag:s21], $0x4000  }
0x56: {  	[sflag:s21] =	ssyncset.done $0x0  }
0x57: {  	s31 =	sadd.s32 $0x2780, s31;
	[sflag:s21] =	ssyncadd.s32 $0xFFFFC000  }
0x58: {  	[spmem:s1] =	stream.indirect.scatter.add.f32 [tilespmem:s20], [sflag:$0x2], $0x80, s31, s18, $0xb8;
	[tilespmem:$0x1E080] =	vst v63  }
0x59: {  	_ =	swait.ge [sflag:s22], $0x4000  }
0x5a: {  	[sflag:s22] =	ssyncset.done $0x0  }
0x5b: {  	[sflag:s22] =	ssyncadd.s32 $0xFFFFC000  }
0x5c: {  	[tilespmem:s20], [sflag:$0x1] =	stream.indirect.gather [hbm4b:s4+s18], $0x80, s25, s18, $0xb8;
	[tilespmem:$0x1E080] =	vst v63  }
0x5d: {  	_ =	swait.ge [sflag:s21], $0x4000  }
0x5e: {  	[sflag:s21] =	ssyncset.done $0x0  }
0x5f: {  	[sflag:s21] =	ssyncadd.s32 $0xFFFFC000  }
0x60: {  	[spmem:s1] =	stream.indirect.scatter.add.f32 [tilespmem:s19], [sflag:$0x2], $0x80, s26, s18, $0xb8;
	[tilespmem:$0x1E080] =	vst v63  }
0x61: {  	_ =	swait.ge [sflag:s22], $0x4000  }
0x62: {  	[sflag:s22] =	ssyncset.done $0x0  }
0x63: {  	[sflag:s22] =	ssyncadd.s32 $0xFFFFC000  }
0x64: {  	_ =	swait.ge [sflag:s21], $0x4000  }
0x65: {  	[sflag:s21] =	ssyncset.done $0x0  }
0x66: {  	[sflag:s21] =	ssyncadd.s32 $0xFFFFC000  }
0x67: {  	[spmem:s1] =	stream.indirect.scatter.add.f32 [tilespmem:s20], [sflag:$0x2], $0x80, s28, s18, $0xb8;
	[tilespmem:$0x1E080] =	vst v63  }
0x68: {  	_ =	swait.ge [sflag:s22], $0x4000  }
0x69: {  	[sflag:s22] =	ssyncset.done $0x0  }
0x6a: {  	[sflag:s22] =	ssyncadd.s32 $0xFFFFC000  }
0x6b: {  	[tilespmem:s2], [sflag:$0x3] =	stream.linear.gather [hbm4b:s8+s2], $0x1400, $0x38;
	[tilespmem:$0x1E080] =	vst v63  }
0x6c: {  	_ =	swait.ge [sflag:s16], $0x1400  }
0x6d: {  	[sflag:s16] =	ssyncset.done $0x0  }
0x6e: {  	[sflag:s16] =	ssyncadd.s32 $0xFFFFEC00  }
0x6f: {  	[tilespmem:s17], [sflag:$0x3] =	stream.linear.gather [hbm4b:s9+s2], $0x1400, $0x38;
	[tilespmem:$0x1E080] =	vst v63  }
0x70: {  	_ =	swait.ge [sflag:s16], $0x1400  }
0x71: {  	[sflag:s16] =	ssyncset.done $0x0  }
0x72: {  	[sflag:s16] =	ssyncadd.s32 $0xFFFFEC00  }
0x73: {  	[tilespmem:s19], [sflag:$0x1] =	stream.indirect.gather [hbm4b:s4+s18], $0x80, s2, s18, $0xb8;
	[tilespmem:$0x1E080] =	vst v63  }
0x74: {  	_ = 	snop  }
0x75: {  	[tilespmem:s20], [sflag:$0x1] =	stream.indirect.gather [hbm4b:s4+s18], $0x80, s18, s18, $0xb8;
	[tilespmem:$0x1E080] =	vst v63  }
0x76: {  	_ =	swait.ge [sflag:s21], $0x4000  }
0x77: {  	[sflag:s21] =	ssyncset.done $0x0  }
0x78: {  	[sflag:s21] =	ssyncadd.s32 $0xFFFFC000  }
0x79: {  	[spmem:s1] =	stream.indirect.scatter.add.f32 [tilespmem:s19], [sflag:$0x2], $0x80, s17, s18, $0xb8;
	[tilespmem:$0x1E080] =	vst v63  }
0x7a: {  	_ =	swait.ge [sflag:s22], $0x4000  }
0x7b: {  	[sflag:s22] =	ssyncset.done $0x0  }
0x7c: {  	[sflag:s22] =	ssyncadd.s32 $0xFFFFC000  }
0x7d: {  	[tilespmem:s19], [sflag:$0x1] =	stream.indirect.gather [hbm4b:s4+s18], $0x80, s23, s18, $0xb8;
	[tilespmem:$0x1E080] =	vst v63  }
0x7e: {  	_ =	swait.ge [sflag:s21], $0x4000  }
0x7f: {  	[sflag:s21] =	ssyncset.done $0x0  }
0x80: {  	[sflag:s21] =	ssyncadd.s32 $0xFFFFC000  }
0x81: {  	[spmem:s1] =	stream.indirect.scatter.add.f32 [tilespmem:s20], [sflag:$0x2], $0x80, s24, s18, $0xb8;
	[tilespmem:$0x1E080] =	vst v63  }
0x82: {  	_ =	swait.ge [sflag:s22], $0x4000  }
0x83: {  	[sflag:s22] =	ssyncset.done $0x0  }
0x84: {  	s0 =	simm.s32 $0x180;
	[sflag:s22] =	ssyncadd.s32 $0xFFFFC000  }
0x85: {  	[tilespmem:s20], [sflag:$0x1] =	stream.indirect.gather [hbm4b:s4+s18], $0x80, s0, s18, $0xb8;
	[tilespmem:$0x1E080] =	vst v63  }
0x86: {  	_ =	swait.ge [sflag:s21], $0x4000  }
0x87: {  	[sflag:s21] =	ssyncset.done $0x0  }
0x88: {  	s0 =	simm.s32 $0x1500;
	[sflag:s21] =	ssyncadd.s32 $0xFFFFC000  }
0x89: {  	[spmem:s1] =	stream.indirect.scatter.add.f32 [tilespmem:s19], [sflag:$0x2], $0x80, s0, s18, $0xb8;
	[tilespmem:$0x1E080] =	vst v63  }
0x8a: {  	_ =	swait.ge [sflag:s22], $0x4000  }
0x8b: {  	[sflag:s22] =	ssyncset.done $0x0  }
0x8c: {  	s0 =	simm.s32 $0x200;
	[sflag:s22] =	ssyncadd.s32 $0xFFFFC000  }
0x8d: {  	[tilespmem:s19], [sflag:$0x1] =	stream.indirect.gather [hbm4b:s4+s18], $0x80, s0, s18, $0xb8;
	[tilespmem:$0x1E080] =	vst v63  }
0x8e: {  	_ =	swait.ge [sflag:s21], $0x4000  }
0x8f: {  	[sflag:s21] =	ssyncset.done $0x0  }
0x90: {  	s30 =	simm.s32 $0xFFFFBC00;
	s31 =	simm.s32 $0x1580;
	[sflag:s21] =	ssyncadd.s32 $0xFFFFC000  }
.LBB2_4:
0x91: {  	[spmem:s1] =	stream.indirect.scatter.add.f32 [tilespmem:s20], [sflag:$0x2], $0x80, s31, s18, $0xb8;
	[tilespmem:$0x1E080] =	vst v63  }
0x92: {  	s0 =	smov.u32 s30  }
0x93: {  	p1 =	sne.s32 s30, $0xFFFFFC00;
	s30 =	sadd.s32 $0x400, s30;
	_ =	swait.ge [sflag:s22], $0x4000  }
0x94: {  	s0 =	sshra.s32 s0, $0x2;
	[sflag:s22] =	ssyncset.done $0x0  }
0x95: {  	s31 =	sadd.s32 $0x1380, s0;
	[sflag:s22] =	ssyncadd.s32 $0xFFFFC000  }
0x96: {  	[tilespmem:s20], [sflag:$0x1] =	stream.indirect.gather [hbm4b:s4+s18], $0x80, s31, s18, $0xb8;
	[tilespmem:$0x1E080] =	vst v63  }
0x97: {  	_ =	swait.ge [sflag:s21], $0x4000  }
0x98: {  	[sflag:s21] =	ssyncset.done $0x0  }
0x99: {  	s31 =	sadd.s32 $0x2700, s0;
	[sflag:s21] =	ssyncadd.s32 $0xFFFFC000  }
0x9a: {  	[spmem:s1] =	stream.indirect.scatter.add.f32 [tilespmem:s19], [sflag:$0x2], $0x80, s31, s18, $0xb8;
	[tilespmem:$0x1E080] =	vst v63  }
0x9b: {  	_ =	swait.ge [sflag:s22], $0x4000  }
0x9c: {  	[sflag:s22] =	ssyncset.done $0x0  }
.Ltmp1:
0x9d: {  	s31 =	sadd.s32 $0x1400, s0;
	[sflag:s22] =	ssyncadd.s32 $0xFFFFC000;
	(pc) =	sbr.rel @p1 .LBB2_4-.Ltmp1, $4  }
0x9e: {  	[tilespmem:s19], [sflag:$0x1] =	stream.indirect.gather [hbm4b:s4+s18], $0x80, s31, s18, $0xb8;
	[tilespmem:$0x1E080] =	vst v63  }
0x9f: {  	_ =	swait.ge [sflag:s21], $0x4000  }
0xa0: {  	[sflag:s21] =	ssyncset.done $0x0  }
0xa1: {  	s31 =	sadd.s32 $0x2780, s0;
	[sflag:s21] =	ssyncadd.s32 $0xFFFFC000  }
0xa2: {  	[spmem:s1] =	stream.indirect.scatter.add.f32 [tilespmem:s20], [sflag:$0x2], $0x80, s31, s18, $0xb8;
	[tilespmem:$0x1E080] =	vst v63  }
0xa3: {  	_ =	swait.ge [sflag:s22], $0x4000  }
0xa4: {  	[sflag:s22] =	ssyncset.done $0x0  }
0xa5: {  	[sflag:s22] =	ssyncadd.s32 $0xFFFFC000  }
0xa6: {  	[tilespmem:s20], [sflag:$0x1] =	stream.indirect.gather [hbm4b:s4+s18], $0x80, s25, s18, $0xb8;
	[tilespmem:$0x1E080] =	vst v63  }
0xa7: {  	_ =	swait.ge [sflag:s21], $0x4000  }
0xa8: {  	[sflag:s21] =	ssyncset.done $0x0  }
0xa9: {  	[sflag:s21] =	ssyncadd.s32 $0xFFFFC000  }
0xaa: {  	[spmem:s1] =	stream.indirect.scatter.add.f32 [tilespmem:s19], [sflag:$0x2], $0x80, s26, s18, $0xb8;
	[tilespmem:$0x1E080] =	vst v63  }
0xab: {  	_ =	swait.ge [sflag:s22], $0x4000  }
0xac: {  	[sflag:s22] =	ssyncset.done $0x0  }
0xad: {  	[sflag:s22] =	ssyncadd.s32 $0xFFFFC000  }
0xae: {  	_ =	swait.ge [sflag:s21], $0x4000  }
0xaf: {  	[sflag:s21] =	ssyncset.done $0x0  }
0xb0: {  	[sflag:s21] =	ssyncadd.s32 $0xFFFFC000  }
0xb1: {  	[spmem:s1] =	stream.indirect.scatter.add.f32 [tilespmem:s20], [sflag:$0x2], $0x80, s28, s18, $0xb8;
	[tilespmem:$0x1E080] =	vst v63  }
0xb2: {  	_ =	swait.ge [sflag:s22], $0x4000  }
0xb3: {  	[sflag:s22] =	ssyncset.done $0x0  }
0xb4: {  	[sflag:s22] =	ssyncadd.s32 $0xFFFFC000  }
0xb5: {  	s0 =	simm.s32 @p0 $0x1FC3;
	[bflag:$0x0] =	sbarrier.arrive $0xFFFF  }
0xb6: {  	[hbm:s11], [sflag:s0] =	dma.local @p0 [spmem:s13], $0x1900  }
0xb7: {  	s0 =	simm.s32 @p0 $0x3  }
0xb8: {  	s29 =	sadd.s32 $0x1, s29;
	_ =	swait.ge @p0 [sflag:s0], $0x1900  }
0xb9: {  	p1 =	sne.s32 s29, s12;
	[sflag:s0] =	ssyncset.done @p0 $0x0  }
.Ltmp2:
0xba: {  	[sflag:s0] =	ssyncadd.s32 @p0 $0xFFFFE700;
	s0 =	simm.s32 @!p0 $0x3;
	(pc) =	sbr.rel @p1 .LBB2_1-.Ltmp2, $4  }
0xbb: {  	[hbm:s10], [sflag:s14] =	dma.local @!p0 [spmem:s15], $0x2800  }
0xbc: {  	_ =	swait.ge @!p0 [sflag:s0], $0x2800  }
0xbd: {  	[sflag:s0] =	ssyncset.done @!p0 $0x0  }
0xbe: {  	[sflag:s0] =	ssyncadd.s32 @!p0 $0xFFFFD800  }
0xbf: {  	_ =	sfence.sel $0x180000  }
0xc0: {  	[bflag:$0x0] =	sbarrier.arrive $0xFFFF  }
0xc1: {  	_ =	strace $0x90000047  }
0xc2: {  	[bflag:$0x2] =	sbarrier.arrive $0xFFFF  }
0xc3: {  	p0 =	sne.s32 s3, $0x0;
	s0 =	rddreg [dreg:$0x3]  }
0xc4: {  	s0 =	sadd.s32 @!p0 $0x100000, s0  }
0xc5: {  	[sflag:s0] =	ssyncadd.tile.s32 @!p0 $0x1;
	_ =	shalt  }
.Lfunc_end2:
_tile_overlayer_lowered:
.L_overlay_start_2:
0xc6: {  	(tag) =	ssettag $0x2  }
0xc7: {  	s0 =	rddreg [dreg:$0x0];
	s2 =	stileid.u32  }
0xc8: {  	s1 =	rddreg [dreg:$0x1];
	p0 =	sne.s32 s2, $0x0  }
0xc9: {  	s3 =	rddreg [dreg:$0x2];
	[bflag:$0x3] =	sbarrier.arrive $0xFFFF;
	s2 =	simm.s32 @!p0 $0x1C03  }
0xca: {  	[timem:s3], [sflag:s2] =	dma.local @!p0 [hbm:s0], s1  }
0xcb: {  	s0 =	simm.s32 @!p0 $0x3  }
0xcc: {  	_ =	swait.ge @!p0 [sflag:s0], s1  }
0xcd: {  	s1 =	ssub.s32 @!p0 $0x0, s1;
	[sflag:s0] =	ssyncset.done @!p0 $0x0  }
0xce: {  	[sflag:s0] =	ssyncadd.s32 @!p0 s1  }
0xcf: {  	[bflag:$0x3] =	sbarrier.arrive $0xFFFF  }
0xd0: {  	_ =	shalt  }

</sc_bundles>
